<compile_context>
chip_gen: v7x
topology: tpu7x:2x2x1
jax: 0.10.2.dev20260603
libtpu: 0.0.44.dev20260713+nightly
codegen_flags: <defaults>
</compile_context>

<pallas_src>
import functools

import jax
import jax.numpy as jnp
from jax import lax
from jax.experimental import pallas as pl
from jax.experimental.pallas import tpu as pltpu
from jax.experimental.pallas import tpu_sc as plsc

N = 10000
E = 160000
D = 256
HALF = 128

NC = 2
NS = 16
EPT = E // NS
CH = 128
EPT_PAD = 10240
NCHUNK = EPT_PAD // CH
WIN = 16
NWIN = NCHUNK // WIN
NP_ = 10240
RPT = NP_ // NS
RPT_LAST = N - (NS - 1) * RPT


def _sc_segment_sum(compute_deg: bool):
  out_type = [jax.ShapeDtypeStruct((2 * N, HALF), jnp.float32)]
  scratch = [
      pltpu.VMEM((WIN, CH), jnp.int32),
      pltpu.VMEM((WIN, CH), jnp.int32),
      pltpu.VMEM((CH, HALF), jnp.float32),
      pltpu.VMEM((CH, HALF), jnp.float32),
      pltpu.VMEM_SHARED((NP_, HALF), jnp.float32),
      pltpu.SemaphoreType.DMA,
      pltpu.SemaphoreType.DMA,
      pltpu.SemaphoreType.DMA,
      pltpu.SemaphoreType.DMA,
  ]
  if compute_deg:
    out_type.append(jax.ShapeDtypeStruct((NS, NP_), jnp.float32))
    scratch.append(pltpu.VMEM((NP_,), jnp.float32))

  mesh = plsc.VectorSubcoreMesh(core_axis_name="c", subcore_axis_name="s")

  @functools.partial(
      pl.kernel,
      out_type=out_type,
      mesh=mesh,
      scratch_types=scratch,
      compiler_params=pltpu.CompilerParams(needs_layout_passes=False),
  )
  def seg_kernel(src3, dst3, xs, zf, *out_and_scratch):
    if compute_deg:
      agg_out, deg_out = out_and_scratch[:2]
      (src_v, dst_v, buf0, buf1, agg_sp,
       sem0, sem1, ssem0, ssem1, hist) = out_and_scratch[2:]
    else:
      agg_out = out_and_scratch[0]
      (src_v, dst_v, buf0, buf1, agg_sp,
       sem0, sem1, ssem0, ssem1) = out_and_scratch[1:]

    c = lax.axis_index("c")
    s = lax.axis_index("s")

    pltpu.sync_copy(zf, agg_sp.at[pl.ds(s * RPT, RPT)])
    if compute_deg:
      zero16 = jnp.zeros((16,), jnp.float32)

      def zbody(i, _):
        hist[pl.ds(i * 16, 16)] = zero16
        return 0

      lax.fori_loop(0, NP_ // 16, zbody, 0, unroll=False)
    plsc.subcore_barrier()

    bufs = (buf0, buf1)
    gsems = (sem0, sem1)
    ssems = (ssem0, ssem1)
    ones16 = jnp.ones((16,), jnp.float32)

    def window_body(w, _):
      @pl.when(w > 0)
      def _():
        pltpu.make_async_copy(buf1, agg_sp.at[dst_v.at[WIN - 1]],
                              ssem1).wait()

      base = s * NCHUNK + w * WIN
      pltpu.sync_copy(src3.at[c, pl.ds(base, WIN)], src_v)
      pltpu.sync_copy(dst3.at[pl.ds(base, WIN)], dst_v)
      pltpu.async_copy(xs.at[src_v.at[0]], buf0, sem0)

      def chunk_body(j, _):
        for b in range(2):
          cur = 2 * j + b
          buf_cur, gsem_cur, ssem_cur = bufs[b], gsems[b], ssems[b]
          buf_nxt, gsem_nxt, ssem_nxt = bufs[1 - b], gsems[1 - b], ssems[1 - b]
          pltpu.make_async_copy(xs.at[src_v.at[cur]], buf_cur, gsem_cur).wait()
          if b == 0:
            @pl.when(j > 0)
            def _():
              pltpu.make_async_copy(buf_nxt, agg_sp.at[dst_v.at[cur - 1]],
                                    ssem_nxt).wait()
          else:
            pltpu.make_async_copy(buf_nxt, agg_sp.at[dst_v.at[cur - 1]],
                                  ssem_nxt).wait()

          @pl.when(cur + 1 < WIN)
          def _():
            pltpu.async_copy(xs.at[src_v.at[cur + 1]], buf_nxt, gsem_nxt)

          pltpu.async_copy(buf_cur, agg_sp.at[dst_v.at[cur]], ssem_cur,
                           add=True)

          if compute_deg:
            @pl.when(c == 0)
            def _():
              for k in range(CH // 16):
                idx = dst_v[cur, pl.ds(k * 16, 16)]
                plsc.addupdate_scatter(hist, [idx], ones16)
        return 0

      lax.fori_loop(0, WIN // 2, chunk_body, 0, unroll=False)
      return 0

    lax.fori_loop(0, NWIN, window_body, 0, unroll=False)
    pltpu.make_async_copy(buf1, agg_sp.at[dst_v.at[WIN - 1]], ssem1).wait()

    plsc.subcore_barrier()

    @pl.when(s < NS - 1)
    def _():
      pltpu.sync_copy(agg_sp.at[pl.ds(s * RPT, RPT)],
                      agg_out.at[pl.ds(c * N + s * RPT, RPT)])

    @pl.when(s == NS - 1)
    def _():
      pltpu.sync_copy(agg_sp.at[pl.ds(s * RPT, RPT_LAST)],
                      agg_out.at[pl.ds(c * N + s * RPT, RPT_LAST)])

    if compute_deg:
      @pl.when(c == 0)
      def _():
        pltpu.sync_copy(hist, deg_out.at[s])

  return seg_kernel


def _tc_layer(aggs, deg, xins, Wlt, b2d, Wrt, stacked_out: bool):
  RB = 2000
  G = N // RB
  grid = (G,)

  def body(agg_ref, deg_ref, x_ref, wlt_ref, b_ref, wrt_ref, o_ref):
    d = jnp.sum(deg_ref[...], axis=1).reshape(RB, 1)
    d = jnp.maximum(d, 1.0)
    mean = jnp.concatenate([agg_ref[0], agg_ref[1]], axis=1) / d
    xi = jnp.concatenate([x_ref[:, 0], x_ref[:, 1]], axis=1)
    acc = jnp.dot(mean, wlt_ref[...], preferred_element_type=jnp.float32)
    acc = acc + jnp.dot(xi, wrt_ref[...], preferred_element_type=jnp.float32)
    acc = acc + b_ref[...]
    o = jnp.maximum(acc, 0.0)
    if stacked_out:
      o_ref[:, 0] = o[:, :HALF]
      o_ref[:, 1] = o[:, HALF:]
    else:
      o_ref[...] = o

  in_specs = [
      pl.BlockSpec((2, RB, HALF), lambda i: (0, i, 0)),
      pl.BlockSpec((RB, NS), lambda i: (i, 0)),
      pl.BlockSpec((RB, 2, HALF), lambda i: (i, 0, 0)),
      pl.BlockSpec((D, D), lambda i: (0, 0)),
      pl.BlockSpec((1, D), lambda i: (0, 0)),
      pl.BlockSpec((D, D), lambda i: (0, 0)),
  ]
  if stacked_out:
    out_shape = jax.ShapeDtypeStruct((N, 2, HALF), jnp.float32)
    out_spec = pl.BlockSpec((RB, 2, HALF), lambda i: (i, 0, 0))
  else:
    out_shape = jax.ShapeDtypeStruct((N, D), jnp.float32)
    out_spec = pl.BlockSpec((RB, D), lambda i: (i, 0))

  return pl.pallas_call(
      body,
      grid=grid,
      in_specs=in_specs,
      out_specs=out_spec,
      out_shape=out_shape,
  )(aggs, deg, xins, Wlt, b2d, Wrt)


@jax.jit
def kernel(x, edge_index, W1_l, b1, W1_r, W2_l, b2, W2_r):
  src = edge_index[0].astype(jnp.int32)
  dst = edge_index[1].astype(jnp.int32)
  src_t = src.reshape(NS, EPT)
  dst_t = dst.reshape(NS, EPT)
  pad_s = jnp.zeros((NS, EPT_PAD - EPT), jnp.int32)
  pad_d = jnp.full((NS, EPT_PAD - EPT), N, jnp.int32)
  src_p = jnp.concatenate([src_t, pad_s], axis=1).reshape(NS * NCHUNK, CH)
  dst3 = jnp.concatenate([dst_t, pad_d], axis=1).reshape(NS * NCHUNK, CH)
  src3 = jnp.stack([2 * src_p, 2 * src_p + 1])

  zf = jnp.zeros((RPT, HALF), jnp.float32)

  seg_with_deg = _sc_segment_sum(compute_deg=True)
  seg_no_deg = _sc_segment_sum(compute_deg=False)

  agg1, deg_h = seg_with_deg(src3, dst3, x.reshape(NC * N, HALF), zf)
  deg = deg_h[:, :N].T

  h1 = _tc_layer(agg1.reshape(NC, N, HALF), deg, x.reshape(N, NC, HALF),
                 W1_l.T, b1.reshape(1, D), W1_r.T, stacked_out=True)

  (agg2,) = seg_no_deg(src3, dst3, h1.reshape(NC * N, HALF), zf)

  out = _tc_layer(agg2.reshape(NC, N, HALF), deg, h1,
                  W2_l.T, b2.reshape(1, D), W2_r.T, stacked_out=False)
  return out

# --- scband reference (transcript-rebuilt; emitter-appended) ---
"""Pipeline reference for scband-graph-encoder-88656714924909 (READ-ONLY COPY).

The authoritative reference and input builder live on the scoring server;
editing this copy changes nothing except your own understanding.
"""

import jax, jax.numpy as jnp
import numpy as np

N = 10000
E = 160000
D = 256


def _sage_conv(x, edge_index, W_l, b_l, W_r):
    # PyG SAGEConv (mean aggr): out = lin_l(mean_j x_j) + lin_r(x_i)
    src = edge_index[0]
    dst = edge_index[1]
    msgs = x[src]
    agg = jax.ops.segment_sum(msgs, dst, num_segments=x.shape[0])
    deg = jax.ops.segment_sum(jnp.ones((edge_index.shape[1],), dtype=x.dtype), dst, num_segments=x.shape[0])
    mean = agg / jnp.clip(deg, 1.0)[:, None]
    return mean @ W_l.T + b_l + x @ W_r.T


def setup_inputs(seed: int = 0) -> dict:
    key = jax.random.key(seed)
    k_x, k_e, k1, k2, k3, k4 = jax.random.split(key, 6)
    x = jax.random.normal(k_x, (N, D), dtype=jnp.float32)
    edge_index = jax.random.randint(k_e, (2, E), 0, N, dtype=jnp.int64)
    s = 1.0 / np.sqrt(D)
    W1_l = jax.random.uniform(k1, (D, D), minval=-s, maxval=s, dtype=jnp.float32)
    b1 = jnp.zeros((D,), dtype=jnp.float32)
    W1_r = jax.random.uniform(k2, (D, D), minval=-s, maxval=s, dtype=jnp.float32)
    W2_l = jax.random.uniform(k3, (D, D), minval=-s, maxval=s, dtype=jnp.float32)
    b2 = jnp.zeros((D,), dtype=jnp.float32)
    W2_r = jax.random.uniform(k4, (D, D), minval=-s, maxval=s, dtype=jnp.float32)
    return {"x": x, "edge_index": edge_index, "W1_l": W1_l, "b1": b1, "W1_r": W1_r, "W2_l": W2_l, "b2": b2, "W2_r": W2_r}


def reference(x, edge_index, W1_l, b1, W1_r, W2_l, b2, W2_r):
    h = jax.nn.relu(_sage_conv(x, edge_index, W1_l, b1, W1_r))
    h = jax.nn.relu(_sage_conv(h, edge_index, W2_l, b2, W2_r))
    return h

if __name__ == "__main__":
    import jax
    _d = setup_inputs()
    print(jax.jit(kernel)(*tuple(_d.values())))

</pallas_src>

<mosaic_0001>
#map = affine_map<(d0, d1) -> (0, 0, 0)>
#map1 = affine_map<(d0, d1) -> (0, 0)>
module attributes {stable_mosaic.version = 14 : i64} {
  func.func @seg_kernel(%arg0: i32, %arg1: i32, %arg2: memref<2x1280x128xi32, #tpu.memory_space<hbm>>, %arg3: memref<1280x128xi32, #tpu.memory_space<hbm>>, %arg4: memref<20000x128xf32, #tpu.memory_space<hbm>>, %arg5: memref<640x128xf32, #tpu.memory_space<hbm>>, %arg6: memref<20000x128xf32, #tpu.memory_space<hbm>>, %arg7: memref<16x10240xf32, #tpu.memory_space<hbm>>, %arg8: memref<16x128xi32, #tpu.memory_space<vmem>>, %arg9: memref<16x128xi32, #tpu.memory_space<vmem>>, %arg10: memref<128x128xf32, #tpu.memory_space<vmem>>, %arg11: memref<128x128xf32, #tpu.memory_space<vmem>>, %arg12: memref<10240x128xf32, #tpu.memory_space<vmem_shared>>, %arg13: memref<!tpu.dma_semaphore, #tpu.memory_space<semaphore_mem>>, %arg14: memref<!tpu.dma_semaphore, #tpu.memory_space<semaphore_mem>>, %arg15: memref<!tpu.dma_semaphore, #tpu.memory_space<semaphore_mem>>, %arg16: memref<!tpu.dma_semaphore, #tpu.memory_space<semaphore_mem>>, %arg17: memref<10240xf32, #tpu.memory_space<vmem>>) attributes {dimension_semantics = [#tpu.dimension_semantics<core_parallel>, #tpu.dimension_semantics<subcore_parallel>], iteration_bounds = array<i64: 2, 16>, scalar_prefetch = 0 : i64, scratch_operands = 10 : i64, tpu.core_type = #tpu.core_type<sc_vector_subcore>, window_params = [{transform_indices = #map}, {transform_indices = #map1}, {transform_indices = #map1}, {transform_indices = #map1}, {transform_indices = #map1}, {transform_indices = #map1}]} {
    %mul3A = arith.constant 640 : i32
    %mul3A_0 = arith.muli %arg1, %mul3A : i32
    "tpu.region"() ({
      %run_scoped3A = tpu.sem_alloc : memref<!tpu.dma_semaphore, #tpu.memory_space<semaphore_mem>>
      %dma_start3A = arith.constant 0 : i32
      %dma_start3A_35 = tpu.memref_slice %arg12[%mul3A_0, %dma_start3A] : memref<10240x128xf32, #tpu.memory_space<vmem_shared>> -> memref<640x128xf32, #tpu.memory_space<vmem_shared>>
      tpu.enqueue_dma source(%arg5 : memref<640x128xf32, #tpu.memory_space<hbm>>) target(%dma_start3A_35 : memref<640x128xf32, #tpu.memory_space<vmem_shared>>) target_semaphore(%run_scoped3A : memref<!tpu.dma_semaphore, #tpu.memory_space<semaphore_mem>>)
      %dma_wait3A_36 = arith.constant 0 : i32
      %dma_wait3A_37 = tpu.memref_slice %arg12[%mul3A_0, %dma_wait3A_36] : memref<10240x128xf32, #tpu.memory_space<vmem_shared>> -> memref<640x128xf32, #tpu.memory_space<vmem_shared>>
      tpu.wait_dma2 semaphore(%run_scoped3A : memref<!tpu.dma_semaphore, #tpu.memory_space<semaphore_mem>>) src(%arg5 : memref<640x128xf32, #tpu.memory_space<hbm>>) dst(%dma_wait3A_37 : memref<640x128xf32, #tpu.memory_space<vmem_shared>>)
      tpu.yield
    }) : () -> ()
    %broadcast_in_dim3A = arith.constant 0.000000e+00 : f32
    %broadcast_in_dim3A_1 = vector.broadcast %broadcast_in_dim3A : f32 to vector<16xf32>
    %scan3A = arith.constant 0 : i32
    %scan3A_2 = arith.constant 0 : i32
    %scan3A_3 = arith.constant 640 : i32
    %scan3A_4 = arith.addi %scan3A_2, %scan3A_3 : i32
    %scan3A_5 = arith.constant 1 : i32
    %scan3A_6 = scf.for %scan3A_35 = %scan3A_2 to %scan3A_4 step %scan3A_5 iter_args(%scan3A_36 = %scan3A) -> (i32)  : i32 {
      %mul3A_37 = arith.constant 16 : i32
      %mul3A_38 = arith.muli %scan3A_35, %mul3A_37 : i32
      %swap3A = arith.index_cast %mul3A_38 : i32 to index
      %swap3A_39 = tpu.vector_load %arg17[%swap3A] {strides = array<i32>} : memref<10240xf32, #tpu.memory_space<vmem>>, vector<16xf32>,
      tpu.vector_store %arg17[%swap3A], %broadcast_in_dim3A_1 {strides = array<i32>} : memref<10240xf32, #tpu.memory_space<vmem>>, vector<16xf32>,
      %scan3A_40 = arith.constant 0 : i32
      scf.yield %scan3A_40 : i32
    }
    %scan3A_7 = arith.constant 640 : i32
    %barrier3A = arith.constant 0 : index
    tpu.barrier barrier_id(%barrier3A)
    %broadcast_in_dim3A_8 = arith.constant 1.000000e+00 : f32
    %broadcast_in_dim3A_9 = vector.broadcast %broadcast_in_dim3A_8 : f32 to vector<16xf32>
    %scan3A_10 = arith.constant 0 : i32
    %scan3A_11 = arith.constant 0 : i32
    %scan3A_12 = arith.constant 5 : i32
    %scan3A_13 = arith.addi %scan3A_11, %scan3A_12 : i32
    %scan3A_14 = arith.constant 1 : i32
    %scan3A_15 = scf.for %scan3A_35 = %scan3A_11 to %scan3A_13 step %scan3A_14 iter_args(%scan3A_36 = %scan3A_10) -> (i32)  : i32 {
      %gt3A = arith.constant 0 : i32
      %gt3A_37 = arith.cmpi sgt, %scan3A_35, %gt3A : i32
      %convert_element_type3A_38 = arith.extui %gt3A_37 : i1 to i32
      %cond3A_39 = arith.constant 0 : i32
      %cond3A_40 = arith.cmpi ne, %convert_element_type3A_38, %cond3A_39 : i32
      scf.if %cond3A_40 {
        %dma_wait3A_59 = arith.constant 15 : i32
        %dma_wait3A_60 = arith.constant 0 : i32
        %dma_wait3A_61 = tpu.memref_slice %arg9[%dma_wait3A_59, %dma_wait3A_60] : memref<16x128xi32, #tpu.memory_space<vmem>> -> memref<1x128xi32, #tpu.memory_space<vmem>>
        %dma_wait3A_62 = tpu.memref_squeeze %dma_wait3A_61 : memref<1x128xi32, #tpu.memory_space<vmem>> -> memref<128xi32, #tpu.memory_space<vmem>>
        %dma_wait3A_63 = arith.constant 0 : i32
        %dma_wait3A_64 = arith.constant 0 : i32
        %dma_wait3A_65 = tpu.memref_slice %arg12[%dma_wait3A_63, %dma_wait3A_64] : memref<10240x128xf32, #tpu.memory_space<vmem_shared>> -> memref<10240x128xf32, #tpu.memory_space<vmem_shared>>
        tpu.wait_indirect_dma semaphore(%arg16 : memref<!tpu.dma_semaphore, #tpu.memory_space<semaphore_mem>>) src(%arg11 : memref<128x128xf32, #tpu.memory_space<vmem>>) dst(%dma_wait3A_65 : memref<10240x128xf32, #tpu.memory_space<vmem_shared>>)
      } else {
      }
      %mul3A_41 = arith.constant 80 : i32
      %mul3A_42 = arith.muli %arg1, %mul3A_41 : i32
      %mul3A_43 = arith.constant 16 : i32
      %mul3A_44 = arith.muli %scan3A_35, %mul3A_43 : i32
      %add3A = arith.addi %mul3A_42, %mul3A_44 : i32
      "tpu.region"() ({
        %run_scoped3A = tpu.sem_alloc : memref<!tpu.dma_semaphore, #tpu.memory_space<semaphore_mem>>
        %dma_start3A_59 = arith.constant 0 : i32
        %dma_start3A_60 = tpu.memref_slice %arg2[%arg0, %add3A, %dma_start3A_59] : memref<2x1280x128xi32, #tpu.memory_space<hbm>> -> memref<1x16x128xi32, #tpu.memory_space<hbm>>
        %dma_start3A_61 = tpu.memref_squeeze %dma_start3A_60 : memref<1x16x128xi32, #tpu.memory_space<hbm>> -> memref<16x128xi32, #tpu.memory_space<hbm>>
        %dma_start3A_62 = arith.constant 0 : i32
        %dma_start3A_63 = tpu.memref_slice %arg2[%arg0, %add3A, %dma_start3A_62] : memref<2x1280x128xi32, #tpu.memory_space<hbm>> -> memref<1x16x128xi32, #tpu.memory_space<hbm>>
        %dma_start3A_64 = tpu.memref_squeeze %dma_start3A_63 : memref<1x16x128xi32, #tpu.memory_space<hbm>> -> memref<16x128xi32, #tpu.memory_space<hbm>>
        tpu.enqueue_dma source(%dma_start3A_64 : memref<16x128xi32, #tpu.memory_space<hbm>>) target(%arg8 : memref<16x128xi32, #tpu.memory_space<vmem>>) target_semaphore(%run_scoped3A : memref<!tpu.dma_semaphore, #tpu.memory_space<semaphore_mem>>)
        %dma_wait3A_65 = arith.constant 0 : i32
        %dma_wait3A_66 = tpu.memref_slice %arg2[%arg0, %add3A, %dma_wait3A_65] : memref<2x1280x128xi32, #tpu.memory_space<hbm>> -> memref<1x16x128xi32, #tpu.memory_space<hbm>>
        %dma_wait3A_67 = tpu.memref_squeeze %dma_wait3A_66 : memref<1x16x128xi32, #tpu.memory_space<hbm>> -> memref<16x128xi32, #tpu.memory_space<hbm>>
        %dma_wait3A_68 = arith.constant 0 : i32
        %dma_wait3A_69 = tpu.memref_slice %arg2[%arg0, %add3A, %dma_wait3A_68] : memref<2x1280x128xi32, #tpu.memory_space<hbm>> -> memref<1x16x128xi32, #tpu.memory_space<hbm>>
        %dma_wait3A_70 = tpu.memref_squeeze %dma_wait3A_69 : memref<1x16x128xi32, #tpu.memory_space<hbm>> -> memref<16x128xi32, #tpu.memory_space<hbm>>
        tpu.wait_dma2 semaphore(%run_scoped3A : memref<!tpu.dma_semaphore, #tpu.memory_space<semaphore_mem>>) src(%dma_wait3A_70 : memref<16x128xi32, #tpu.memory_space<hbm>>) dst(%arg8 : memref<16x128xi32, #tpu.memory_space<vmem>>)
        tpu.yield
      }) : () -> ()
      "tpu.region"() ({
        %run_scoped3A = tpu.sem_alloc : memref<!tpu.dma_semaphore, #tpu.memory_space<semaphore_mem>>
        %dma_start3A_59 = arith.constant 0 : i32
        %dma_start3A_60 = tpu.memref_slice %arg3[%add3A, %dma_start3A_59] : memref<1280x128xi32, #tpu.memory_space<hbm>> -> memref<16x128xi32, #tpu.memory_space<hbm>>
        %dma_start3A_61 = arith.constant 0 : i32
        %dma_start3A_62 = tpu.memref_slice %arg3[%add3A, %dma_start3A_61] : memref<1280x128xi32, #tpu.memory_space<hbm>> -> memref<16x128xi32, #tpu.memory_space<hbm>>
        tpu.enqueue_dma source(%dma_start3A_62 : memref<16x128xi32, #tpu.memory_space<hbm>>) target(%arg9 : memref<16x128xi32, #tpu.memory_space<vmem>>) target_semaphore(%run_scoped3A : memref<!tpu.dma_semaphore, #tpu.memory_space<semaphore_mem>>)
        %dma_wait3A_63 = arith.constant 0 : i32
        %dma_wait3A_64 = tpu.memref_slice %arg3[%add3A, %dma_wait3A_63] : memref<1280x128xi32, #tpu.memory_space<hbm>> -> memref<16x128xi32, #tpu.memory_space<hbm>>
        %dma_wait3A_65 = arith.constant 0 : i32
        %dma_wait3A_66 = tpu.memref_slice %arg3[%add3A, %dma_wait3A_65] : memref<1280x128xi32, #tpu.memory_space<hbm>> -> memref<16x128xi32, #tpu.memory_space<hbm>>
        tpu.wait_dma2 semaphore(%run_scoped3A : memref<!tpu.dma_semaphore, #tpu.memory_space<semaphore_mem>>) src(%dma_wait3A_66 : memref<16x128xi32, #tpu.memory_space<hbm>>) dst(%arg9 : memref<16x128xi32, #tpu.memory_space<vmem>>)
        tpu.yield
      }) : () -> ()
      %dma_start3A = arith.constant 0 : i32
      %dma_start3A_45 = arith.constant 0 : i32
      %dma_start3A_46 = tpu.memref_slice %arg8[%dma_start3A, %dma_start3A_45] : memref<16x128xi32, #tpu.memory_space<vmem>> -> memref<1x128xi32, #tpu.memory_space<vmem>>
      %dma_start3A_47 = tpu.memref_squeeze %dma_start3A_46 : memref<1x128xi32, #tpu.memory_space<vmem>> -> memref<128xi32, #tpu.memory_space<vmem>>
      %dma_start3A_48 = arith.constant 0 : i32
      %dma_start3A_49 = arith.constant 0 : i32
      %dma_start3A_50 = tpu.memref_slice %arg4[%dma_start3A_48, %dma_start3A_49] : memref<20000x128xf32, #tpu.memory_space<hbm>> -> memref<20000x128xf32, #tpu.memory_space<hbm>>
      tpu.enqueue_indirect_dma source(%dma_start3A_50 : memref<20000x128xf32, #tpu.memory_space<hbm>>) target(%arg10 : memref<128x128xf32, #tpu.memory_space<vmem>>) offsets(%dma_start3A_47 : memref<128xi32, #tpu.memory_space<vmem>>) semaphore(%arg13 : memref<!tpu.dma_semaphore, #tpu.memory_space<semaphore_mem>>)
      %scan3A_51 = arith.constant 0 : i32
      %scan3A_52 = arith.constant 0 : i32
      %scan3A_53 = arith.constant 8 : i32
      %scan3A_54 = arith.addi %scan3A_52, %scan3A_53 : i32
      %scan3A_55 = arith.constant 1 : i32
      %scan3A_56 = scf.for %scan3A_59 = %scan3A_52 to %scan3A_54 step %scan3A_55 iter_args(%scan3A_60 = %scan3A_51) -> (i32)  : i32 {
        %mul3A_61 = arith.constant 2 : i32
        %mul3A_62 = arith.muli %mul3A_61, %scan3A_59 : i32
        %add3A_63 = arith.constant 0 : i32
        %add3A_64 = arith.addi %mul3A_62, %add3A_63 : i32
        %dma_wait3A_65 = arith.constant 0 : i32
        %dma_wait3A_66 = tpu.memref_slice %arg8[%add3A_64, %dma_wait3A_65] : memref<16x128xi32, #tpu.memory_space<vmem>> -> memref<1x128xi32, #tpu.memory_space<vmem>>
        %dma_wait3A_67 = tpu.memref_squeeze %dma_wait3A_66 : memref<1x128xi32, #tpu.memory_space<vmem>> -> memref<128xi32, #tpu.memory_space<vmem>>
        %dma_wait3A_68 = arith.constant 0 : i32
        %dma_wait3A_69 = arith.constant 0 : i32
        %dma_wait3A_70 = tpu.memref_slice %arg4[%dma_wait3A_68, %dma_wait3A_69] : memref<20000x128xf32, #tpu.memory_space<hbm>> -> memref<20000x128xf32, #tpu.memory_space<hbm>>
        tpu.wait_indirect_dma semaphore(%arg13 : memref<!tpu.dma_semaphore, #tpu.memory_space<semaphore_mem>>) src(%dma_wait3A_70 : memref<20000x128xf32, #tpu.memory_space<hbm>>) dst(%arg10 : memref<128x128xf32, #tpu.memory_space<vmem>>)
        %gt3A_71 = arith.constant 0 : i32
        %gt3A_72 = arith.cmpi sgt, %scan3A_59, %gt3A_71 : i32
        %convert_element_type3A_73 = arith.extui %gt3A_72 : i1 to i32
        %cond3A_74 = arith.constant 0 : i32
        %cond3A_75 = arith.cmpi ne, %convert_element_type3A_73, %cond3A_74 : i32
        scf.if %cond3A_75 {
          %sub3A_130 = arith.constant 1 : i32
          %sub3A_131 = arith.subi %add3A_64, %sub3A_130 : i32
          %dma_wait3A_132 = arith.constant 0 : i32
          %dma_wait3A_133 = tpu.memref_slice %arg9[%sub3A_131, %dma_wait3A_132] : memref<16x128xi32, #tpu.memory_space<vmem>> -> memref<1x128xi32, #tpu.memory_space<vmem>>
          %dma_wait3A_134 = tpu.memref_squeeze %dma_wait3A_133 : memref<1x128xi32, #tpu.memory_space<vmem>> -> memref<128xi32, #tpu.memory_space<vmem>>
          %dma_wait3A_135 = arith.constant 0 : i32
          %dma_wait3A_136 = arith.constant 0 : i32
          %dma_wait3A_137 = tpu.memref_slice %arg12[%dma_wait3A_135, %dma_wait3A_136] : memref<10240x128xf32, #tpu.memory_space<vmem_shared>> -> memref<10240x128xf32, #tpu.memory_space<vmem_shared>>
          tpu.wait_indirect_dma semaphore(%arg16 : memref<!tpu.dma_semaphore, #tpu.memory_space<semaphore_mem>>) src(%arg11 : memref<128x128xf32, #tpu.memory_space<vmem>>) dst(%dma_wait3A_137 : memref<10240x128xf32, #tpu.memory_space<vmem_shared>>)
        } else {
        }
        %add3A_76 = arith.constant 1 : i32
        %add3A_77 = arith.addi %add3A_64, %add3A_76 : i32
        %lt3A_78 = arith.constant 16 : i32
        %lt3A_79 = arith.cmpi slt, %add3A_77, %lt3A_78 : i32
        %convert_element_type3A_80 = arith.extui %lt3A_79 : i1 to i32
        %cond3A_81 = arith.constant 0 : i32
        %cond3A_82 = arith.cmpi ne, %convert_element_type3A_80, %cond3A_81 : i32
        scf.if %cond3A_82 {
          %add3A_130 = arith.constant 1 : i32
          %add3A_131 = arith.addi %add3A_64, %add3A_130 : i32
          %dma_start3A_132 = arith.constant 0 : i32
          %dma_start3A_133 = tpu.memref_slice %arg8[%add3A_131, %dma_start3A_132] : memref<16x128xi32, #tpu.memory_space<vmem>> -> memref<1x128xi32, #tpu.memory_space<vmem>>
          %dma_start3A_134 = tpu.memref_squeeze %dma_start3A_133 : memref<1x128xi32, #tpu.memory_space<vmem>> -> memref<128xi32, #tpu.memory_space<vmem>>
          %dma_start3A_135 = arith.constant 0 : i32
          %dma_start3A_136 = arith.constant 0 : i32
          %dma_start3A_137 = tpu.memref_slice %arg4[%dma_start3A_135, %dma_start3A_136] : memref<20000x128xf32, #tpu.memory_space<hbm>> -> memref<20000x128xf32, #tpu.memory_space<hbm>>
          tpu.enqueue_indirect_dma source(%dma_start3A_137 : memref<20000x128xf32, #tpu.memory_space<hbm>>) target(%arg11 : memref<128x128xf32, #tpu.memory_space<vmem>>) offsets(%dma_start3A_134 : memref<128xi32, #tpu.memory_space<vmem>>) semaphore(%arg14 : memref<!tpu.dma_semaphore, #tpu.memory_space<semaphore_mem>>)
        } else {
        }
        %dma_start3A_83 = arith.constant 0 : i32
        %dma_start3A_84 = tpu.memref_slice %arg9[%add3A_64, %dma_start3A_83] : memref<16x128xi32, #tpu.memory_space<vmem>> -> memref<1x128xi32, #tpu.memory_space<vmem>>
        %dma_start3A_85 = tpu.memref_squeeze %dma_start3A_84 : memref<1x128xi32, #tpu.memory_space<vmem>> -> memref<128xi32, #tpu.memory_space<vmem>>
        %dma_start3A_86 = arith.constant 0 : i32
        %dma_start3A_87 = arith.constant 0 : i32
        %dma_start3A_88 = tpu.memref_slice %arg12[%dma_start3A_86, %dma_start3A_87] : memref<10240x128xf32, #tpu.memory_space<vmem_shared>> -> memref<10240x128xf32, #tpu.memory_space<vmem_shared>>
        tpu.enqueue_indirect_dma source(%arg10 : memref<128x128xf32, #tpu.memory_space<vmem>>) target(%dma_start3A_88 : memref<10240x128xf32, #tpu.memory_space<vmem_shared>>) offsets(%dma_start3A_85 : memref<128xi32, #tpu.memory_space<vmem>>) semaphore(%arg15 : memref<!tpu.dma_semaphore, #tpu.memory_space<semaphore_mem>>) {add = true}
        %eq3A_89 = arith.constant 0 : i32
        %eq3A_90 = arith.cmpi eq, %arg0, %eq3A_89 : i32
        %convert_element_type3A_91 = arith.extui %eq3A_90 : i1 to i32
        %cond3A_92 = arith.constant 0 : i32
        %cond3A_93 = arith.cmpi ne, %convert_element_type3A_91, %cond3A_92 : i32
        scf.if %cond3A_93 {
          %get3A = arith.index_cast %add3A_64 : i32 to index
          %get3A_130 = arith.constant 0 : index
          %get3A_131 = tpu.vector_load %arg9[%get3A, %get3A_130] {strides = array<i32>} : memref<16x128xi32, #tpu.memory_space<vmem>>, vector<16xi32>,
          tpu.vector_store_idx %arg17[%get3A_131], %broadcast_in_dim3A_9 {add = true} : memref<10240xf32, #tpu.memory_space<vmem>>[vector<16xi32>], vector<16xf32>,
          %get3A_132 = arith.index_cast %add3A_64 : i32 to index
          %get3A_133 = arith.constant 16 : index
          %get3A_134 = tpu.vector_load %arg9[%get3A_132, %get3A_133] {strides = array<i32>} : memref<16x128xi32, #tpu.memory_space<vmem>>, vector<16xi32>,
          tpu.vector_store_idx %arg17[%get3A_134], %broadcast_in_dim3A_9 {add = true} : memref<10240xf32, #tpu.memory_space<vmem>>[vector<16xi32>], vector<16xf32>,
          %get3A_135 = arith.index_cast %add3A_64 : i32 to index
          %get3A_136 = arith.constant 32 : index
          %get3A_137 = tpu.vector_load %arg9[%get3A_135, %get3A_136] {strides = array<i32>} : memref<16x128xi32, #tpu.memory_space<vmem>>, vector<16xi32>,
          tpu.vector_store_idx %arg17[%get3A_137], %broadcast_in_dim3A_9 {add = true} : memref<10240xf32, #tpu.memory_space<vmem>>[vector<16xi32>], vector<16xf32>,
          %get3A_138 = arith.index_cast %add3A_64 : i32 to index
          %get3A_139 = arith.constant 48 : index
          %get3A_140 = tpu.vector_load %arg9[%get3A_138, %get3A_139] {strides = array<i32>} : memref<16x128xi32, #tpu.memory_space<vmem>>, vector<16xi32>,
          tpu.vector_store_idx %arg17[%get3A_140], %broadcast_in_dim3A_9 {add = true} : memref<10240xf32, #tpu.memory_space<vmem>>[vector<16xi32>], vector<16xf32>,
          %get3A_141 = arith.index_cast %add3A_64 : i32 to index
          %get3A_142 = arith.constant 64 : index
          %get3A_143 = tpu.vector_load %arg9[%get3A_141, %get3A_142] {strides = array<i32>} : memref<16x128xi32, #tpu.memory_space<vmem>>, vector<16xi32>,
          tpu.vector_store_idx %arg17[%get3A_143], %broadcast_in_dim3A_9 {add = true} : memref<10240xf32, #tpu.memory_space<vmem>>[vector<16xi32>], vector<16xf32>,
          %get3A_144 = arith.index_cast %add3A_64 : i32 to index
          %get3A_145 = arith.constant 80 : index
          %get3A_146 = tpu.vector_load %arg9[%get3A_144, %get3A_145] {strides = array<i32>} : memref<16x128xi32, #tpu.memory_space<vmem>>, vector<16xi32>,
          tpu.vector_store_idx %arg17[%get3A_146], %broadcast_in_dim3A_9 {add = true} : memref<10240xf32, #tpu.memory_space<vmem>>[vector<16xi32>], vector<16xf32>,
          %get3A_147 = arith.index_cast %add3A_64 : i32 to index
          %get3A_148 = arith.constant 96 : index
          %get3A_149 = tpu.vector_load %arg9[%get3A_147, %get3A_148] {strides = array<i32>} : memref<16x128xi32, #tpu.memory_space<vmem>>, vector<16xi32>,
          tpu.vector_store_idx %arg17[%get3A_149], %broadcast_in_dim3A_9 {add = true} : memref<10240xf32, #tpu.memory_space<vmem>>[vector<16xi32>], vector<16xf32>,
          %get3A_150 = arith.index_cast %add3A_64 : i32 to index
          %get3A_151 = arith.constant 112 : index
          %get3A_152 = tpu.vector_load %arg9[%get3A_150, %get3A_151] {strides = array<i32>} : memref<16x128xi32, #tpu.memory_space<vmem>>, vector<16xi32>,
          tpu.vector_store_idx %arg17[%get3A_152], %broadcast_in_dim3A_9 {add = true} : memref<10240xf32, #tpu.memory_space<vmem>>[vector<16xi32>], vector<16xf32>,
        } else {
        }
        %mul3A_94 = arith.constant 2 : i32
        %mul3A_95 = arith.muli %mul3A_94, %scan3A_59 : i32
        %add3A_96 = arith.constant 1 : i32
        %add3A_97 = arith.addi %mul3A_95, %add3A_96 : i32
        %dma_wait3A_98 = arith.constant 0 : i32
        %dma_wait3A_99 = tpu.memref_slice %arg8[%add3A_97, %dma_wait3A_98] : memref<16x128xi32, #tpu.memory_space<vmem>> -> memref<1x128xi32, #tpu.memory_space<vmem>>
        %dma_wait3A_100 = tpu.memref_squeeze %dma_wait3A_99 : memref<1x128xi32, #tpu.memory_space<vmem>> -> memref<128xi32, #tpu.memory_space<vmem>>
        %dma_wait3A_101 = arith.constant 0 : i32
        %dma_wait3A_102 = arith.constant 0 : i32
        %dma_wait3A_103 = tpu.memref_slice %arg4[%dma_wait3A_101, %dma_wait3A_102] : memref<20000x128xf32, #tpu.memory_space<hbm>> -> memref<20000x128xf32, #tpu.memory_space<hbm>>
        tpu.wait_indirect_dma semaphore(%arg14 : memref<!tpu.dma_semaphore, #tpu.memory_space<semaphore_mem>>) src(%dma_wait3A_103 : memref<20000x128xf32, #tpu.memory_space<hbm>>) dst(%arg11 : memref<128x128xf32, #tpu.memory_space<vmem>>)
        %sub3A = arith.constant 1 : i32
        %sub3A_104 = arith.subi %add3A_97, %sub3A : i32
        %dma_wait3A_105 = arith.constant 0 : i32
        %dma_wait3A_106 = tpu.memref_slice %arg9[%sub3A_104, %dma_wait3A_105] : memref<16x128xi32, #tpu.memory_space<vmem>> -> memref<1x128xi32, #tpu.memory_space<vmem>>
        %dma_wait3A_107 = tpu.memref_squeeze %dma_wait3A_106 : memref<1x128xi32, #tpu.memory_space<vmem>> -> memref<128xi32, #tpu.memory_space<vmem>>
        %dma_wait3A_108 = arith.constant 0 : i32
        %dma_wait3A_109 = arith.constant 0 : i32
        %dma_wait3A_110 = tpu.memref_slice %arg12[%dma_wait3A_108, %dma_wait3A_109] : memref<10240x128xf32, #tpu.memory_space<vmem_shared>> -> memref<10240x128xf32, #tpu.memory_space<vmem_shared>>
        tpu.wait_indirect_dma semaphore(%arg15 : memref<!tpu.dma_semaphore, #tpu.memory_space<semaphore_mem>>) src(%arg10 : memref<128x128xf32, #tpu.memory_space<vmem>>) dst(%dma_wait3A_110 : memref<10240x128xf32, #tpu.memory_space<vmem_shared>>)
        %add3A_111 = arith.constant 1 : i32
        %add3A_112 = arith.addi %add3A_97, %add3A_111 : i32
        %lt3A_113 = arith.constant 16 : i32
        %lt3A_114 = arith.cmpi slt, %add3A_112, %lt3A_113 : i32
        %convert_element_type3A_115 = arith.extui %lt3A_114 : i1 to i32
        %cond3A_116 = arith.constant 0 : i32
        %cond3A_117 = arith.cmpi ne, %convert_element_type3A_115, %cond3A_116 : i32
        scf.if %cond3A_117 {
          %add3A_130 = arith.constant 1 : i32
          %add3A_131 = arith.addi %add3A_97, %add3A_130 : i32
          %dma_start3A_132 = arith.constant 0 : i32
          %dma_start3A_133 = tpu.memref_slice %arg8[%add3A_131, %dma_start3A_132] : memref<16x128xi32, #tpu.memory_space<vmem>> -> memref<1x128xi32, #tpu.memory_space<vmem>>
          %dma_start3A_134 = tpu.memref_squeeze %dma_start3A_133 : memref<1x128xi32, #tpu.memory_space<vmem>> -> memref<128xi32, #tpu.memory_space<vmem>>
          %dma_start3A_135 = arith.constant 0 : i32
          %dma_start3A_136 = arith.constant 0 : i32
          %dma_start3A_137 = tpu.memref_slice %arg4[%dma_start3A_135, %dma_start3A_136] : memref<20000x128xf32, #tpu.memory_space<hbm>> -> memref<20000x128xf32, #tpu.memory_space<hbm>>
          tpu.enqueue_indirect_dma source(%dma_start3A_137 : memref<20000x128xf32, #tpu.memory_space<hbm>>) target(%arg10 : memref<128x128xf32, #tpu.memory_space<vmem>>) offsets(%dma_start3A_134 : memref<128xi32, #tpu.memory_space<vmem>>) semaphore(%arg13 : memref<!tpu.dma_semaphore, #tpu.memory_space<semaphore_mem>>)
        } else {
        }
        %dma_start3A_118 = arith.constant 0 : i32
        %dma_start3A_119 = tpu.memref_slice %arg9[%add3A_97, %dma_start3A_118] : memref<16x128xi32, #tpu.memory_space<vmem>> -> memref<1x128xi32, #tpu.memory_space<vmem>>
        %dma_start3A_120 = tpu.memref_squeeze %dma_start3A_119 : memref<1x128xi32, #tpu.memory_space<vmem>> -> memref<128xi32, #tpu.memory_space<vmem>>
        %dma_start3A_121 = arith.constant 0 : i32
        %dma_start3A_122 = arith.constant 0 : i32
        %dma_start3A_123 = tpu.memref_slice %arg12[%dma_start3A_121, %dma_start3A_122] : memref<10240x128xf32, #tpu.memory_space<vmem_shared>> -> memref<10240x128xf32, #tpu.memory_space<vmem_shared>>
        tpu.enqueue_indirect_dma source(%arg11 : memref<128x128xf32, #tpu.memory_space<vmem>>) target(%dma_start3A_123 : memref<10240x128xf32, #tpu.memory_space<vmem_shared>>) offsets(%dma_start3A_120 : memref<128xi32, #tpu.memory_space<vmem>>) semaphore(%arg16 : memref<!tpu.dma_semaphore, #tpu.memory_space<semaphore_mem>>) {add = true}
        %eq3A_124 = arith.constant 0 : i32
        %eq3A_125 = arith.cmpi eq, %arg0, %eq3A_124 : i32
        %convert_element_type3A_126 = arith.extui %eq3A_125 : i1 to i32
        %cond3A_127 = arith.constant 0 : i32
        %cond3A_128 = arith.cmpi ne, %convert_element_type3A_126, %cond3A_127 : i32
        scf.if %cond3A_128 {
          %get3A = arith.index_cast %add3A_97 : i32 to index
          %get3A_130 = arith.constant 0 : index
          %get3A_131 = tpu.vector_load %arg9[%get3A, %get3A_130] {strides = array<i32>} : memref<16x128xi32, #tpu.memory_space<vmem>>, vector<16xi32>,
          tpu.vector_store_idx %arg17[%get3A_131], %broadcast_in_dim3A_9 {add = true} : memref<10240xf32, #tpu.memory_space<vmem>>[vector<16xi32>], vector<16xf32>,
          %get3A_132 = arith.index_cast %add3A_97 : i32 to index
          %get3A_133 = arith.constant 16 : index
          %get3A_134 = tpu.vector_load %arg9[%get3A_132, %get3A_133] {strides = array<i32>} : memref<16x128xi32, #tpu.memory_space<vmem>>, vector<16xi32>,
          tpu.vector_store_idx %arg17[%get3A_134], %broadcast_in_dim3A_9 {add = true} : memref<10240xf32, #tpu.memory_space<vmem>>[vector<16xi32>], vector<16xf32>,
          %get3A_135 = arith.index_cast %add3A_97 : i32 to index
          %get3A_136 = arith.constant 32 : index
          %get3A_137 = tpu.vector_load %arg9[%get3A_135, %get3A_136] {strides = array<i32>} : memref<16x128xi32, #tpu.memory_space<vmem>>, vector<16xi32>,
          tpu.vector_store_idx %arg17[%get3A_137], %broadcast_in_dim3A_9 {add = true} : memref<10240xf32, #tpu.memory_space<vmem>>[vector<16xi32>], vector<16xf32>,
          %get3A_138 = arith.index_cast %add3A_97 : i32 to index
          %get3A_139 = arith.constant 48 : index
          %get3A_140 = tpu.vector_load %arg9[%get3A_138, %get3A_139] {strides = array<i32>} : memref<16x128xi32, #tpu.memory_space<vmem>>, vector<16xi32>,
          tpu.vector_store_idx %arg17[%get3A_140], %broadcast_in_dim3A_9 {add = true} : memref<10240xf32, #tpu.memory_space<vmem>>[vector<16xi32>], vector<16xf32>,
          %get3A_141 = arith.index_cast %add3A_97 : i32 to index
          %get3A_142 = arith.constant 64 : index
          %get3A_143 = tpu.vector_load %arg9[%get3A_141, %get3A_142] {strides = array<i32>} : memref<16x128xi32, #tpu.memory_space<vmem>>, vector<16xi32>,
          tpu.vector_store_idx %arg17[%get3A_143], %broadcast_in_dim3A_9 {add = true} : memref<10240xf32, #tpu.memory_space<vmem>>[vector<16xi32>], vector<16xf32>,
          %get3A_144 = arith.index_cast %add3A_97 : i32 to index
          %get3A_145 = arith.constant 80 : index
          %get3A_146 = tpu.vector_load %arg9[%get3A_144, %get3A_145] {strides = array<i32>} : memref<16x128xi32, #tpu.memory_space<vmem>>, vector<16xi32>,
          tpu.vector_store_idx %arg17[%get3A_146], %broadcast_in_dim3A_9 {add = true} : memref<10240xf32, #tpu.memory_space<vmem>>[vector<16xi32>], vector<16xf32>,
          %get3A_147 = arith.index_cast %add3A_97 : i32 to index
          %get3A_148 = arith.constant 96 : index
          %get3A_149 = tpu.vector_load %arg9[%get3A_147, %get3A_148] {strides = array<i32>} : memref<16x128xi32, #tpu.memory_space<vmem>>, vector<16xi32>,
          tpu.vector_store_idx %arg17[%get3A_149], %broadcast_in_dim3A_9 {add = true} : memref<10240xf32, #tpu.memory_space<vmem>>[vector<16xi32>], vector<16xf32>,
          %get3A_150 = arith.index_cast %add3A_97 : i32 to index
          %get3A_151 = arith.constant 112 : index
          %get3A_152 = tpu.vector_load %arg9[%get3A_150, %get3A_151] {strides = array<i32>} : memref<16x128xi32, #tpu.memory_space<vmem>>, vector<16xi32>,
          tpu.vector_store_idx %arg17[%get3A_152], %broadcast_in_dim3A_9 {add = true} : memref<10240xf32, #tpu.memory_space<vmem>>[vector<16xi32>], vector<16xf32>,
        } else {
        }
        %scan3A_129 = arith.constant 0 : i32
        scf.yield %scan3A_129 : i32
      }
      %scan3A_57 = arith.constant 8 : i32
      %scan3A_58 = arith.constant 0 : i32
      scf.yield %scan3A_58 : i32
    }
    %scan3A_16 = arith.constant 5 : i32
    %dma_wait3A = arith.constant 15 : i32
    %dma_wait3A_17 = arith.constant 0 : i32
    %dma_wait3A_18 = tpu.memref_slice %arg9[%dma_wait3A, %dma_wait3A_17] : memref<16x128xi32, #tpu.memory_space<vmem>> -> memref<1x128xi32, #tpu.memory_space<vmem>>
    %dma_wait3A_19 = tpu.memref_squeeze %dma_wait3A_18 : memref<1x128xi32, #tpu.memory_space<vmem>> -> memref<128xi32, #tpu.memory_space<vmem>>
    %dma_wait3A_20 = arith.constant 0 : i32
    %dma_wait3A_21 = arith.constant 0 : i32
    %dma_wait3A_22 = tpu.memref_slice %arg12[%dma_wait3A_20, %dma_wait3A_21] : memref<10240x128xf32, #tpu.memory_space<vmem_shared>> -> memref<10240x128xf32, #tpu.memory_space<vmem_shared>>
    tpu.wait_indirect_dma semaphore(%arg16 : memref<!tpu.dma_semaphore, #tpu.memory_space<semaphore_mem>>) src(%arg11 : memref<128x128xf32, #tpu.memory_space<vmem>>) dst(%dma_wait3A_22 : memref<10240x128xf32, #tpu.memory_space<vmem_shared>>)
    %barrier3A_23 = arith.constant 0 : index
    tpu.barrier barrier_id(%barrier3A_23)
    %lt3A = arith.constant 15 : i32
    %lt3A_24 = arith.cmpi slt, %arg1, %lt3A : i32
    %convert_element_type3A = arith.extui %lt3A_24 : i1 to i32
    %cond3A = arith.constant 0 : i32
    %cond3A_25 = arith.cmpi ne, %convert_element_type3A, %cond3A : i32
    scf.if %cond3A_25 {
      %mul3A_35 = arith.constant 640 : i32
      %mul3A_36 = arith.muli %arg1, %mul3A_35 : i32
      %mul3A_37 = arith.constant 10000 : i32
      %mul3A_38 = arith.muli %arg0, %mul3A_37 : i32
      %mul3A_39 = arith.constant 640 : i32
      %mul3A_40 = arith.muli %arg1, %mul3A_39 : i32
      %add3A = arith.addi %mul3A_38, %mul3A_40 : i32
      "tpu.region"() ({
        %run_scoped3A = tpu.sem_alloc : memref<!tpu.dma_semaphore, #tpu.memory_space<semaphore_mem>>
        %dma_start3A = arith.constant 0 : i32
        %dma_start3A_41 = tpu.memref_slice %arg6[%add3A, %dma_start3A] : memref<20000x128xf32, #tpu.memory_space<hbm>> -> memref<640x128xf32, #tpu.memory_space<hbm>>
        %dma_start3A_42 = arith.constant 0 : i32
        %dma_start3A_43 = tpu.memref_slice %arg12[%mul3A_36, %dma_start3A_42] : memref<10240x128xf32, #tpu.memory_space<vmem_shared>> -> memref<640x128xf32, #tpu.memory_space<vmem_shared>>
        tpu.enqueue_dma source(%dma_start3A_43 : memref<640x128xf32, #tpu.memory_space<vmem_shared>>) target(%dma_start3A_41 : memref<640x128xf32, #tpu.memory_space<hbm>>) target_semaphore(%run_scoped3A : memref<!tpu.dma_semaphore, #tpu.memory_space<semaphore_mem>>)
        %dma_wait3A_44 = arith.constant 0 : i32
        %dma_wait3A_45 = tpu.memref_slice %arg6[%add3A, %dma_wait3A_44] : memref<20000x128xf32, #tpu.memory_space<hbm>> -> memref<640x128xf32, #tpu.memory_space<hbm>>
        %dma_wait3A_46 = arith.constant 0 : i32
        %dma_wait3A_47 = tpu.memref_slice %arg12[%mul3A_36, %dma_wait3A_46] : memref<10240x128xf32, #tpu.memory_space<vmem_shared>> -> memref<640x128xf32, #tpu.memory_space<vmem_shared>>
        tpu.wait_dma2 semaphore(%run_scoped3A : memref<!tpu.dma_semaphore, #tpu.memory_space<semaphore_mem>>) src(%dma_wait3A_47 : memref<640x128xf32, #tpu.memory_space<vmem_shared>>) dst(%dma_wait3A_45 : memref<640x128xf32, #tpu.memory_space<hbm>>)
        tpu.yield
      }) : () -> ()
    } else {
    }
    %eq3A = arith.constant 15 : i32
    %eq3A_26 = arith.cmpi eq, %arg1, %eq3A : i32
    %convert_element_type3A_27 = arith.extui %eq3A_26 : i1 to i32
    %cond3A_28 = arith.constant 0 : i32
    %cond3A_29 = arith.cmpi ne, %convert_element_type3A_27, %cond3A_28 : i32
    scf.if %cond3A_29 {
      %mul3A_35 = arith.constant 640 : i32
      %mul3A_36 = arith.muli %arg1, %mul3A_35 : i32
      %mul3A_37 = arith.constant 10000 : i32
      %mul3A_38 = arith.muli %arg0, %mul3A_37 : i32
      %mul3A_39 = arith.constant 640 : i32
      %mul3A_40 = arith.muli %arg1, %mul3A_39 : i32
      %add3A = arith.addi %mul3A_38, %mul3A_40 : i32
      "tpu.region"() ({
        %run_scoped3A = tpu.sem_alloc : memref<!tpu.dma_semaphore, #tpu.memory_space<semaphore_mem>>
        %dma_start3A = arith.constant 0 : i32
        %dma_start3A_41 = tpu.memref_slice %arg6[%add3A, %dma_start3A] : memref<20000x128xf32, #tpu.memory_space<hbm>> -> memref<400x128xf32, #tpu.memory_space<hbm>>
        %dma_start3A_42 = arith.constant 0 : i32
        %dma_start3A_43 = tpu.memref_slice %arg12[%mul3A_36, %dma_start3A_42] : memref<10240x128xf32, #tpu.memory_space<vmem_shared>> -> memref<400x128xf32, #tpu.memory_space<vmem_shared>>
        tpu.enqueue_dma source(%dma_start3A_43 : memref<400x128xf32, #tpu.memory_space<vmem_shared>>) target(%dma_start3A_41 : memref<400x128xf32, #tpu.memory_space<hbm>>) target_semaphore(%run_scoped3A : memref<!tpu.dma_semaphore, #tpu.memory_space<semaphore_mem>>)
        %dma_wait3A_44 = arith.constant 0 : i32
        %dma_wait3A_45 = tpu.memref_slice %arg6[%add3A, %dma_wait3A_44] : memref<20000x128xf32, #tpu.memory_space<hbm>> -> memref<400x128xf32, #tpu.memory_space<hbm>>
        %dma_wait3A_46 = arith.constant 0 : i32
        %dma_wait3A_47 = tpu.memref_slice %arg12[%mul3A_36, %dma_wait3A_46] : memref<10240x128xf32, #tpu.memory_space<vmem_shared>> -> memref<400x128xf32, #tpu.memory_space<vmem_shared>>
        tpu.wait_dma2 semaphore(%run_scoped3A : memref<!tpu.dma_semaphore, #tpu.memory_space<semaphore_mem>>) src(%dma_wait3A_47 : memref<400x128xf32, #tpu.memory_space<vmem_shared>>) dst(%dma_wait3A_45 : memref<400x128xf32, #tpu.memory_space<hbm>>)
        tpu.yield
      }) : () -> ()
    } else {
    }
    %eq3A_30 = arith.constant 0 : i32
    %eq3A_31 = arith.cmpi eq, %arg0, %eq3A_30 : i32
    %convert_element_type3A_32 = arith.extui %eq3A_31 : i1 to i32
    %cond3A_33 = arith.constant 0 : i32
    %cond3A_34 = arith.cmpi ne, %convert_element_type3A_32, %cond3A_33 : i32
    scf.if %cond3A_34 {
      "tpu.region"() ({
        %run_scoped3A = tpu.sem_alloc : memref<!tpu.dma_semaphore, #tpu.memory_space<semaphore_mem>>
        %dma_start3A = arith.constant 0 : i32
        %dma_start3A_35 = tpu.memref_slice %arg7[%arg1, %dma_start3A] : memref<16x10240xf32, #tpu.memory_space<hbm>> -> memref<1x10240xf32, #tpu.memory_space<hbm>>
        %dma_start3A_36 = tpu.memref_squeeze %dma_start3A_35 : memref<1x10240xf32, #tpu.memory_space<hbm>> -> memref<10240xf32, #tpu.memory_space<hbm>>
        %dma_start3A_37 = arith.constant 0 : i32
        %dma_start3A_38 = tpu.memref_slice %arg7[%arg1, %dma_start3A_37] : memref<16x10240xf32, #tpu.memory_space<hbm>> -> memref<1x10240xf32, #tpu.memory_space<hbm>>
        %dma_start3A_39 = tpu.memref_squeeze %dma_start3A_38 : memref<1x10240xf32, #tpu.memory_space<hbm>> -> memref<10240xf32, #tpu.memory_space<hbm>>
        tpu.enqueue_dma source(%arg17 : memref<10240xf32, #tpu.memory_space<vmem>>) target(%dma_start3A_39 : memref<10240xf32, #tpu.memory_space<hbm>>) target_semaphore(%run_scoped3A : memref<!tpu.dma_semaphore, #tpu.memory_space<semaphore_mem>>)
        %dma_wait3A_40 = arith.constant 0 : i32
        %dma_wait3A_41 = tpu.memref_slice %arg7[%arg1, %dma_wait3A_40] : memref<16x10240xf32, #tpu.memory_space<hbm>> -> memref<1x10240xf32, #tpu.memory_space<hbm>>
        %dma_wait3A_42 = tpu.memref_squeeze %dma_wait3A_41 : memref<1x10240xf32, #tpu.memory_space<hbm>> -> memref<10240xf32, #tpu.memory_space<hbm>>
        %dma_wait3A_43 = arith.constant 0 : i32
        %dma_wait3A_44 = tpu.memref_slice %arg7[%arg1, %dma_wait3A_43] : memref<16x10240xf32, #tpu.memory_space<hbm>> -> memref<1x10240xf32, #tpu.memory_space<hbm>>
        %dma_wait3A_45 = tpu.memref_squeeze %dma_wait3A_44 : memref<1x10240xf32, #tpu.memory_space<hbm>> -> memref<10240xf32, #tpu.memory_space<hbm>>
        tpu.wait_dma2 semaphore(%run_scoped3A : memref<!tpu.dma_semaphore, #tpu.memory_space<semaphore_mem>>) src(%arg17 : memref<10240xf32, #tpu.memory_space<vmem>>) dst(%dma_wait3A_45 : memref<10240xf32, #tpu.memory_space<hbm>>)
        tpu.yield
      }) : () -> ()
    } else {
    }
    return
  }
}

#map = affine_map<(d0, d1) -> (0, 0, 0)>
#map1 = affine_map<(d0, d1) -> (0, 0)>
module attributes {stable_mosaic.version = 14 : i64} {
  func.func @seg_kernel(%arg0: i32, %arg1: i32, %arg2: memref<2x1280x128xi32, #tpu.memory_space<hbm>>, %arg3: memref<1280x128xi32, #tpu.memory_space<hbm>>, %arg4: memref<20000x128xf32, #tpu.memory_space<hbm>>, %arg5: memref<640x128xf32, #tpu.memory_space<hbm>>, %arg6: memref<20000x128xf32, #tpu.memory_space<hbm>>, %arg7: memref<16x128xi32, #tpu.memory_space<vmem>>, %arg8: memref<16x128xi32, #tpu.memory_space<vmem>>, %arg9: memref<128x128xf32, #tpu.memory_space<vmem>>, %arg10: memref<128x128xf32, #tpu.memory_space<vmem>>, %arg11: memref<10240x128xf32, #tpu.memory_space<vmem_shared>>, %arg12: memref<!tpu.dma_semaphore, #tpu.memory_space<semaphore_mem>>, %arg13: memref<!tpu.dma_semaphore, #tpu.memory_space<semaphore_mem>>, %arg14: memref<!tpu.dma_semaphore, #tpu.memory_space<semaphore_mem>>, %arg15: memref<!tpu.dma_semaphore, #tpu.memory_space<semaphore_mem>>) attributes {dimension_semantics = [#tpu.dimension_semantics<core_parallel>, #tpu.dimension_semantics<subcore_parallel>], iteration_bounds = array<i64: 2, 16>, scalar_prefetch = 0 : i64, scratch_operands = 9 : i64, tpu.core_type = #tpu.core_type<sc_vector_subcore>, window_params = [{transform_indices = #map}, {transform_indices = #map1}, {transform_indices = #map1}, {transform_indices = #map1}, {transform_indices = #map1}]} {
    %mul3A = arith.constant 640 : i32
    %mul3A_0 = arith.muli %arg1, %mul3A : i32
    "tpu.region"() ({
      %run_scoped3A = tpu.sem_alloc : memref<!tpu.dma_semaphore, #tpu.memory_space<semaphore_mem>>
      %dma_start3A = arith.constant 0 : i32
      %dma_start3A_21 = tpu.memref_slice %arg11[%mul3A_0, %dma_start3A] : memref<10240x128xf32, #tpu.memory_space<vmem_shared>> -> memref<640x128xf32, #tpu.memory_space<vmem_shared>>
      tpu.enqueue_dma source(%arg5 : memref<640x128xf32, #tpu.memory_space<hbm>>) target(%dma_start3A_21 : memref<640x128xf32, #tpu.memory_space<vmem_shared>>) target_semaphore(%run_scoped3A : memref<!tpu.dma_semaphore, #tpu.memory_space<semaphore_mem>>)
      %dma_wait3A_22 = arith.constant 0 : i32
      %dma_wait3A_23 = tpu.memref_slice %arg11[%mul3A_0, %dma_wait3A_22] : memref<10240x128xf32, #tpu.memory_space<vmem_shared>> -> memref<640x128xf32, #tpu.memory_space<vmem_shared>>
      tpu.wait_dma2 semaphore(%run_scoped3A : memref<!tpu.dma_semaphore, #tpu.memory_space<semaphore_mem>>) src(%arg5 : memref<640x128xf32, #tpu.memory_space<hbm>>) dst(%dma_wait3A_23 : memref<640x128xf32, #tpu.memory_space<vmem_shared>>)
      tpu.yield
    }) : () -> ()
    %barrier3A = arith.constant 0 : index
    tpu.barrier barrier_id(%barrier3A)
    %broadcast_in_dim3A = arith.constant 1.000000e+00 : f32
    %broadcast_in_dim3A_1 = vector.broadcast %broadcast_in_dim3A : f32 to vector<16xf32>
    %scan3A = arith.constant 0 : i32
    %scan3A_2 = arith.constant 0 : i32
    %scan3A_3 = arith.constant 5 : i32
    %scan3A_4 = arith.addi %scan3A_2, %scan3A_3 : i32
    %scan3A_5 = arith.constant 1 : i32
    %scan3A_6 = scf.for %scan3A_21 = %scan3A_2 to %scan3A_4 step %scan3A_5 iter_args(%scan3A_22 = %scan3A) -> (i32)  : i32 {
      %gt3A = arith.constant 0 : i32
      %gt3A_23 = arith.cmpi sgt, %scan3A_21, %gt3A : i32
      %convert_element_type3A_24 = arith.extui %gt3A_23 : i1 to i32
      %cond3A_25 = arith.constant 0 : i32
      %cond3A_26 = arith.cmpi ne, %convert_element_type3A_24, %cond3A_25 : i32
      scf.if %cond3A_26 {
        %dma_wait3A_45 = arith.constant 15 : i32
        %dma_wait3A_46 = arith.constant 0 : i32
        %dma_wait3A_47 = tpu.memref_slice %arg8[%dma_wait3A_45, %dma_wait3A_46] : memref<16x128xi32, #tpu.memory_space<vmem>> -> memref<1x128xi32, #tpu.memory_space<vmem>>
        %dma_wait3A_48 = tpu.memref_squeeze %dma_wait3A_47 : memref<1x128xi32, #tpu.memory_space<vmem>> -> memref<128xi32, #tpu.memory_space<vmem>>
        %dma_wait3A_49 = arith.constant 0 : i32
        %dma_wait3A_50 = arith.constant 0 : i32
        %dma_wait3A_51 = tpu.memref_slice %arg11[%dma_wait3A_49, %dma_wait3A_50] : memref<10240x128xf32, #tpu.memory_space<vmem_shared>> -> memref<10240x128xf32, #tpu.memory_space<vmem_shared>>
        tpu.wait_indirect_dma semaphore(%arg15 : memref<!tpu.dma_semaphore, #tpu.memory_space<semaphore_mem>>) src(%arg10 : memref<128x128xf32, #tpu.memory_space<vmem>>) dst(%dma_wait3A_51 : memref<10240x128xf32, #tpu.memory_space<vmem_shared>>)
      } else {
      }
      %mul3A_27 = arith.constant 80 : i32
      %mul3A_28 = arith.muli %arg1, %mul3A_27 : i32
      %mul3A_29 = arith.constant 16 : i32
      %mul3A_30 = arith.muli %scan3A_21, %mul3A_29 : i32
      %add3A = arith.addi %mul3A_28, %mul3A_30 : i32
      "tpu.region"() ({
        %run_scoped3A = tpu.sem_alloc : memref<!tpu.dma_semaphore, #tpu.memory_space<semaphore_mem>>
        %dma_start3A_45 = arith.constant 0 : i32
        %dma_start3A_46 = tpu.memref_slice %arg2[%arg0, %add3A, %dma_start3A_45] : memref<2x1280x128xi32, #tpu.memory_space<hbm>> -> memref<1x16x128xi32, #tpu.memory_space<hbm>>
        %dma_start3A_47 = tpu.memref_squeeze %dma_start3A_46 : memref<1x16x128xi32, #tpu.memory_space<hbm>> -> memref<16x128xi32, #tpu.memory_space<hbm>>
        %dma_start3A_48 = arith.constant 0 : i32
        %dma_start3A_49 = tpu.memref_slice %arg2[%arg0, %add3A, %dma_start3A_48] : memref<2x1280x128xi32, #tpu.memory_space<hbm>> -> memref<1x16x128xi32, #tpu.memory_space<hbm>>
        %dma_start3A_50 = tpu.memref_squeeze %dma_start3A_49 : memref<1x16x128xi32, #tpu.memory_space<hbm>> -> memref<16x128xi32, #tpu.memory_space<hbm>>
        tpu.enqueue_dma source(%dma_start3A_50 : memref<16x128xi32, #tpu.memory_space<hbm>>) target(%arg7 : memref<16x128xi32, #tpu.memory_space<vmem>>) target_semaphore(%run_scoped3A : memref<!tpu.dma_semaphore, #tpu.memory_space<semaphore_mem>>)
        %dma_wait3A_51 = arith.constant 0 : i32
        %dma_wait3A_52 = tpu.memref_slice %arg2[%arg0, %add3A, %dma_wait3A_51] : memref<2x1280x128xi32, #tpu.memory_space<hbm>> -> memref<1x16x128xi32, #tpu.memory_space<hbm>>
        %dma_wait3A_53 = tpu.memref_squeeze %dma_wait3A_52 : memref<1x16x128xi32, #tpu.memory_space<hbm>> -> memref<16x128xi32, #tpu.memory_space<hbm>>
        %dma_wait3A_54 = arith.constant 0 : i32
        %dma_wait3A_55 = tpu.memref_slice %arg2[%arg0, %add3A, %dma_wait3A_54] : memref<2x1280x128xi32, #tpu.memory_space<hbm>> -> memref<1x16x128xi32, #tpu.memory_space<hbm>>
        %dma_wait3A_56 = tpu.memref_squeeze %dma_wait3A_55 : memref<1x16x128xi32, #tpu.memory_space<hbm>> -> memref<16x128xi32, #tpu.memory_space<hbm>>
        tpu.wait_dma2 semaphore(%run_scoped3A : memref<!tpu.dma_semaphore, #tpu.memory_space<semaphore_mem>>) src(%dma_wait3A_56 : memref<16x128xi32, #tpu.memory_space<hbm>>) dst(%arg7 : memref<16x128xi32, #tpu.memory_space<vmem>>)
        tpu.yield
      }) : () -> ()
      "tpu.region"() ({
        %run_scoped3A = tpu.sem_alloc : memref<!tpu.dma_semaphore, #tpu.memory_space<semaphore_mem>>
        %dma_start3A_45 = arith.constant 0 : i32
        %dma_start3A_46 = tpu.memref_slice %arg3[%add3A, %dma_start3A_45] : memref<1280x128xi32, #tpu.memory_space<hbm>> -> memref<16x128xi32, #tpu.memory_space<hbm>>
        %dma_start3A_47 = arith.constant 0 : i32
        %dma_start3A_48 = tpu.memref_slice %arg3[%add3A, %dma_start3A_47] : memref<1280x128xi32, #tpu.memory_space<hbm>> -> memref<16x128xi32, #tpu.memory_space<hbm>>
        tpu.enqueue_dma source(%dma_start3A_48 : memref<16x128xi32, #tpu.memory_space<hbm>>) target(%arg8 : memref<16x128xi32, #tpu.memory_space<vmem>>) target_semaphore(%run_scoped3A : memref<!tpu.dma_semaphore, #tpu.memory_space<semaphore_mem>>)
        %dma_wait3A_49 = arith.constant 0 : i32
        %dma_wait3A_50 = tpu.memref_slice %arg3[%add3A, %dma_wait3A_49] : memref<1280x128xi32, #tpu.memory_space<hbm>> -> memref<16x128xi32, #tpu.memory_space<hbm>>
        %dma_wait3A_51 = arith.constant 0 : i32
        %dma_wait3A_52 = tpu.memref_slice %arg3[%add3A, %dma_wait3A_51] : memref<1280x128xi32, #tpu.memory_space<hbm>> -> memref<16x128xi32, #tpu.memory_space<hbm>>
        tpu.wait_dma2 semaphore(%run_scoped3A : memref<!tpu.dma_semaphore, #tpu.memory_space<semaphore_mem>>) src(%dma_wait3A_52 : memref<16x128xi32, #tpu.memory_space<hbm>>) dst(%arg8 : memref<16x128xi32, #tpu.memory_space<vmem>>)
        tpu.yield
      }) : () -> ()
      %dma_start3A = arith.constant 0 : i32
      %dma_start3A_31 = arith.constant 0 : i32
      %dma_start3A_32 = tpu.memref_slice %arg7[%dma_start3A, %dma_start3A_31] : memref<16x128xi32, #tpu.memory_space<vmem>> -> memref<1x128xi32, #tpu.memory_space<vmem>>
      %dma_start3A_33 = tpu.memref_squeeze %dma_start3A_32 : memref<1x128xi32, #tpu.memory_space<vmem>> -> memref<128xi32, #tpu.memory_space<vmem>>
      %dma_start3A_34 = arith.constant 0 : i32
      %dma_start3A_35 = arith.constant 0 : i32
      %dma_start3A_36 = tpu.memref_slice %arg4[%dma_start3A_34, %dma_start3A_35] : memref<20000x128xf32, #tpu.memory_space<hbm>> -> memref<20000x128xf32, #tpu.memory_space<hbm>>
      tpu.enqueue_indirect_dma source(%dma_start3A_36 : memref<20000x128xf32, #tpu.memory_space<hbm>>) target(%arg9 : memref<128x128xf32, #tpu.memory_space<vmem>>) offsets(%dma_start3A_33 : memref<128xi32, #tpu.memory_space<vmem>>) semaphore(%arg12 : memref<!tpu.dma_semaphore, #tpu.memory_space<semaphore_mem>>)
      %scan3A_37 = arith.constant 0 : i32
      %scan3A_38 = arith.constant 0 : i32
      %scan3A_39 = arith.constant 8 : i32
      %scan3A_40 = arith.addi %scan3A_38, %scan3A_39 : i32
      %scan3A_41 = arith.constant 1 : i32
      %scan3A_42 = scf.for %scan3A_45 = %scan3A_38 to %scan3A_40 step %scan3A_41 iter_args(%scan3A_46 = %scan3A_37) -> (i32)  : i32 {
        %mul3A_47 = arith.constant 2 : i32
        %mul3A_48 = arith.muli %mul3A_47, %scan3A_45 : i32
        %add3A_49 = arith.constant 0 : i32
        %add3A_50 = arith.addi %mul3A_48, %add3A_49 : i32
        %dma_wait3A_51 = arith.constant 0 : i32
        %dma_wait3A_52 = tpu.memref_slice %arg7[%add3A_50, %dma_wait3A_51] : memref<16x128xi32, #tpu.memory_space<vmem>> -> memref<1x128xi32, #tpu.memory_space<vmem>>
        %dma_wait3A_53 = tpu.memref_squeeze %dma_wait3A_52 : memref<1x128xi32, #tpu.memory_space<vmem>> -> memref<128xi32, #tpu.memory_space<vmem>>
        %dma_wait3A_54 = arith.constant 0 : i32
        %dma_wait3A_55 = arith.constant 0 : i32
        %dma_wait3A_56 = tpu.memref_slice %arg4[%dma_wait3A_54, %dma_wait3A_55] : memref<20000x128xf32, #tpu.memory_space<hbm>> -> memref<20000x128xf32, #tpu.memory_space<hbm>>
        tpu.wait_indirect_dma semaphore(%arg12 : memref<!tpu.dma_semaphore, #tpu.memory_space<semaphore_mem>>) src(%dma_wait3A_56 : memref<20000x128xf32, #tpu.memory_space<hbm>>) dst(%arg9 : memref<128x128xf32, #tpu.memory_space<vmem>>)
        %gt3A_57 = arith.constant 0 : i32
        %gt3A_58 = arith.cmpi sgt, %scan3A_45, %gt3A_57 : i32
        %convert_element_type3A_59 = arith.extui %gt3A_58 : i1 to i32
        %cond3A_60 = arith.constant 0 : i32
        %cond3A_61 = arith.cmpi ne, %convert_element_type3A_59, %cond3A_60 : i32
        scf.if %cond3A_61 {
          %sub3A_106 = arith.constant 1 : i32
          %sub3A_107 = arith.subi %add3A_50, %sub3A_106 : i32
          %dma_wait3A_108 = arith.constant 0 : i32
          %dma_wait3A_109 = tpu.memref_slice %arg8[%sub3A_107, %dma_wait3A_108] : memref<16x128xi32, #tpu.memory_space<vmem>> -> memref<1x128xi32, #tpu.memory_space<vmem>>
          %dma_wait3A_110 = tpu.memref_squeeze %dma_wait3A_109 : memref<1x128xi32, #tpu.memory_space<vmem>> -> memref<128xi32, #tpu.memory_space<vmem>>
          %dma_wait3A_111 = arith.constant 0 : i32
          %dma_wait3A_112 = arith.constant 0 : i32
          %dma_wait3A_113 = tpu.memref_slice %arg11[%dma_wait3A_111, %dma_wait3A_112] : memref<10240x128xf32, #tpu.memory_space<vmem_shared>> -> memref<10240x128xf32, #tpu.memory_space<vmem_shared>>
          tpu.wait_indirect_dma semaphore(%arg15 : memref<!tpu.dma_semaphore, #tpu.memory_space<semaphore_mem>>) src(%arg10 : memref<128x128xf32, #tpu.memory_space<vmem>>) dst(%dma_wait3A_113 : memref<10240x128xf32, #tpu.memory_space<vmem_shared>>)
        } else {
        }
        %add3A_62 = arith.constant 1 : i32
        %add3A_63 = arith.addi %add3A_50, %add3A_62 : i32
        %lt3A_64 = arith.constant 16 : i32
        %lt3A_65 = arith.cmpi slt, %add3A_63, %lt3A_64 : i32
        %convert_element_type3A_66 = arith.extui %lt3A_65 : i1 to i32
        %cond3A_67 = arith.constant 0 : i32
        %cond3A_68 = arith.cmpi ne, %convert_element_type3A_66, %cond3A_67 : i32
        scf.if %cond3A_68 {
          %add3A_106 = arith.constant 1 : i32
          %add3A_107 = arith.addi %add3A_50, %add3A_106 : i32
          %dma_start3A_108 = arith.constant 0 : i32
          %dma_start3A_109 = tpu.memref_slice %arg7[%add3A_107, %dma_start3A_108] : memref<16x128xi32, #tpu.memory_space<vmem>> -> memref<1x128xi32, #tpu.memory_space<vmem>>
          %dma_start3A_110 = tpu.memref_squeeze %dma_start3A_109 : memref<1x128xi32, #tpu.memory_space<vmem>> -> memref<128xi32, #tpu.memory_space<vmem>>
          %dma_start3A_111 = arith.constant 0 : i32
          %dma_start3A_112 = arith.constant 0 : i32
          %dma_start3A_113 = tpu.memref_slice %arg4[%dma_start3A_111, %dma_start3A_112] : memref<20000x128xf32, #tpu.memory_space<hbm>> -> memref<20000x128xf32, #tpu.memory_space<hbm>>
          tpu.enqueue_indirect_dma source(%dma_start3A_113 : memref<20000x128xf32, #tpu.memory_space<hbm>>) target(%arg10 : memref<128x128xf32, #tpu.memory_space<vmem>>) offsets(%dma_start3A_110 : memref<128xi32, #tpu.memory_space<vmem>>) semaphore(%arg13 : memref<!tpu.dma_semaphore, #tpu.memory_space<semaphore_mem>>)
        } else {
        }
        %dma_start3A_69 = arith.constant 0 : i32
        %dma_start3A_70 = tpu.memref_slice %arg8[%add3A_50, %dma_start3A_69] : memref<16x128xi32, #tpu.memory_space<vmem>> -> memref<1x128xi32, #tpu.memory_space<vmem>>
        %dma_start3A_71 = tpu.memref_squeeze %dma_start3A_70 : memref<1x128xi32, #tpu.memory_space<vmem>> -> memref<128xi32, #tpu.memory_space<vmem>>
        %dma_start3A_72 = arith.constant 0 : i32
        %dma_start3A_73 = arith.constant 0 : i32
        %dma_start3A_74 = tpu.memref_slice %arg11[%dma_start3A_72, %dma_start3A_73] : memref<10240x128xf32, #tpu.memory_space<vmem_shared>> -> memref<10240x128xf32, #tpu.memory_space<vmem_shared>>
        tpu.enqueue_indirect_dma source(%arg9 : memref<128x128xf32, #tpu.memory_space<vmem>>) target(%dma_start3A_74 : memref<10240x128xf32, #tpu.memory_space<vmem_shared>>) offsets(%dma_start3A_71 : memref<128xi32, #tpu.memory_space<vmem>>) semaphore(%arg14 : memref<!tpu.dma_semaphore, #tpu.memory_space<semaphore_mem>>) {add = true}
        %mul3A_75 = arith.constant 2 : i32
        %mul3A_76 = arith.muli %mul3A_75, %scan3A_45 : i32
        %add3A_77 = arith.constant 1 : i32
        %add3A_78 = arith.addi %mul3A_76, %add3A_77 : i32
        %dma_wait3A_79 = arith.constant 0 : i32
        %dma_wait3A_80 = tpu.memref_slice %arg7[%add3A_78, %dma_wait3A_79] : memref<16x128xi32, #tpu.memory_space<vmem>> -> memref<1x128xi32, #tpu.memory_space<vmem>>
        %dma_wait3A_81 = tpu.memref_squeeze %dma_wait3A_80 : memref<1x128xi32, #tpu.memory_space<vmem>> -> memref<128xi32, #tpu.memory_space<vmem>>
        %dma_wait3A_82 = arith.constant 0 : i32
        %dma_wait3A_83 = arith.constant 0 : i32
        %dma_wait3A_84 = tpu.memref_slice %arg4[%dma_wait3A_82, %dma_wait3A_83] : memref<20000x128xf32, #tpu.memory_space<hbm>> -> memref<20000x128xf32, #tpu.memory_space<hbm>>
        tpu.wait_indirect_dma semaphore(%arg13 : memref<!tpu.dma_semaphore, #tpu.memory_space<semaphore_mem>>) src(%dma_wait3A_84 : memref<20000x128xf32, #tpu.memory_space<hbm>>) dst(%arg10 : memref<128x128xf32, #tpu.memory_space<vmem>>)
        %sub3A = arith.constant 1 : i32
        %sub3A_85 = arith.subi %add3A_78, %sub3A : i32
        %dma_wait3A_86 = arith.constant 0 : i32
        %dma_wait3A_87 = tpu.memref_slice %arg8[%sub3A_85, %dma_wait3A_86] : memref<16x128xi32, #tpu.memory_space<vmem>> -> memref<1x128xi32, #tpu.memory_space<vmem>>
        %dma_wait3A_88 = tpu.memref_squeeze %dma_wait3A_87 : memref<1x128xi32, #tpu.memory_space<vmem>> -> memref<128xi32, #tpu.memory_space<vmem>>
        %dma_wait3A_89 = arith.constant 0 : i32
        %dma_wait3A_90 = arith.constant 0 : i32
        %dma_wait3A_91 = tpu.memref_slice %arg11[%dma_wait3A_89, %dma_wait3A_90] : memref<10240x128xf32, #tpu.memory_space<vmem_shared>> -> memref<10240x128xf32, #tpu.memory_space<vmem_shared>>
        tpu.wait_indirect_dma semaphore(%arg14 : memref<!tpu.dma_semaphore, #tpu.memory_space<semaphore_mem>>) src(%arg9 : memref<128x128xf32, #tpu.memory_space<vmem>>) dst(%dma_wait3A_91 : memref<10240x128xf32, #tpu.memory_space<vmem_shared>>)
        %add3A_92 = arith.constant 1 : i32
        %add3A_93 = arith.addi %add3A_78, %add3A_92 : i32
        %lt3A_94 = arith.constant 16 : i32
        %lt3A_95 = arith.cmpi slt, %add3A_93, %lt3A_94 : i32
        %convert_element_type3A_96 = arith.extui %lt3A_95 : i1 to i32
        %cond3A_97 = arith.constant 0 : i32
        %cond3A_98 = arith.cmpi ne, %convert_element_type3A_96, %cond3A_97 : i32
        scf.if %cond3A_98 {
          %add3A_106 = arith.constant 1 : i32
          %add3A_107 = arith.addi %add3A_78, %add3A_106 : i32
          %dma_start3A_108 = arith.constant 0 : i32
          %dma_start3A_109 = tpu.memref_slice %arg7[%add3A_107, %dma_start3A_108] : memref<16x128xi32, #tpu.memory_space<vmem>> -> memref<1x128xi32, #tpu.memory_space<vmem>>
          %dma_start3A_110 = tpu.memref_squeeze %dma_start3A_109 : memref<1x128xi32, #tpu.memory_space<vmem>> -> memref<128xi32, #tpu.memory_space<vmem>>
          %dma_start3A_111 = arith.constant 0 : i32
          %dma_start3A_112 = arith.constant 0 : i32
          %dma_start3A_113 = tpu.memref_slice %arg4[%dma_start3A_111, %dma_start3A_112] : memref<20000x128xf32, #tpu.memory_space<hbm>> -> memref<20000x128xf32, #tpu.memory_space<hbm>>
          tpu.enqueue_indirect_dma source(%dma_start3A_113 : memref<20000x128xf32, #tpu.memory_space<hbm>>) target(%arg9 : memref<128x128xf32, #tpu.memory_space<vmem>>) offsets(%dma_start3A_110 : memref<128xi32, #tpu.memory_space<vmem>>) semaphore(%arg12 : memref<!tpu.dma_semaphore, #tpu.memory_space<semaphore_mem>>)
        } else {
        }
        %dma_start3A_99 = arith.constant 0 : i32
        %dma_start3A_100 = tpu.memref_slice %arg8[%add3A_78, %dma_start3A_99] : memref<16x128xi32, #tpu.memory_space<vmem>> -> memref<1x128xi32, #tpu.memory_space<vmem>>
        %dma_start3A_101 = tpu.memref_squeeze %dma_start3A_100 : memref<1x128xi32, #tpu.memory_space<vmem>> -> memref<128xi32, #tpu.memory_space<vmem>>
        %dma_start3A_102 = arith.constant 0 : i32
        %dma_start3A_103 = arith.constant 0 : i32
        %dma_start3A_104 = tpu.memref_slice %arg11[%dma_start3A_102, %dma_start3A_103] : memref<10240x128xf32, #tpu.memory_space<vmem_shared>> -> memref<10240x128xf32, #tpu.memory_space<vmem_shared>>
        tpu.enqueue_indirect_dma source(%arg10 : memref<128x128xf32, #tpu.memory_space<vmem>>) target(%dma_start3A_104 : memref<10240x128xf32, #tpu.memory_space<vmem_shared>>) offsets(%dma_start3A_101 : memref<128xi32, #tpu.memory_space<vmem>>) semaphore(%arg15 : memref<!tpu.dma_semaphore, #tpu.memory_space<semaphore_mem>>) {add = true}
        %scan3A_105 = arith.constant 0 : i32
        scf.yield %scan3A_105 : i32
      }
      %scan3A_43 = arith.constant 8 : i32
      %scan3A_44 = arith.constant 0 : i32
      scf.yield %scan3A_44 : i32
    }
    %scan3A_7 = arith.constant 5 : i32
    %dma_wait3A = arith.constant 15 : i32
    %dma_wait3A_8 = arith.constant 0 : i32
    %dma_wait3A_9 = tpu.memref_slice %arg8[%dma_wait3A, %dma_wait3A_8] : memref<16x128xi32, #tpu.memory_space<vmem>> -> memref<1x128xi32, #tpu.memory_space<vmem>>
    %dma_wait3A_10 = tpu.memref_squeeze %dma_wait3A_9 : memref<1x128xi32, #tpu.memory_space<vmem>> -> memref<128xi32, #tpu.memory_space<vmem>>
    %dma_wait3A_11 = arith.constant 0 : i32
    %dma_wait3A_12 = arith.constant 0 : i32
    %dma_wait3A_13 = tpu.memref_slice %arg11[%dma_wait3A_11, %dma_wait3A_12] : memref<10240x128xf32, #tpu.memory_space<vmem_shared>> -> memref<10240x128xf32, #tpu.memory_space<vmem_shared>>
    tpu.wait_indirect_dma semaphore(%arg15 : memref<!tpu.dma_semaphore, #tpu.memory_space<semaphore_mem>>) src(%arg10 : memref<128x128xf32, #tpu.memory_space<vmem>>) dst(%dma_wait3A_13 : memref<10240x128xf32, #tpu.memory_space<vmem_shared>>)
    %barrier3A_14 = arith.constant 0 : index
    tpu.barrier barrier_id(%barrier3A_14)
    %lt3A = arith.constant 15 : i32
    %lt3A_15 = arith.cmpi slt, %arg1, %lt3A : i32
    %convert_element_type3A = arith.extui %lt3A_15 : i1 to i32
    %cond3A = arith.constant 0 : i32
    %cond3A_16 = arith.cmpi ne, %convert_element_type3A, %cond3A : i32
    scf.if %cond3A_16 {
      %mul3A_21 = arith.constant 640 : i32
      %mul3A_22 = arith.muli %arg1, %mul3A_21 : i32
      %mul3A_23 = arith.constant 10000 : i32
      %mul3A_24 = arith.muli %arg0, %mul3A_23 : i32
      %mul3A_25 = arith.constant 640 : i32
      %mul3A_26 = arith.muli %arg1, %mul3A_25 : i32
      %add3A = arith.addi %mul3A_24, %mul3A_26 : i32
      "tpu.region"() ({
        %run_scoped3A = tpu.sem_alloc : memref<!tpu.dma_semaphore, #tpu.memory_space<semaphore_mem>>
        %dma_start3A = arith.constant 0 : i32
        %dma_start3A_27 = tpu.memref_slice %arg6[%add3A, %dma_start3A] : memref<20000x128xf32, #tpu.memory_space<hbm>> -> memref<640x128xf32, #tpu.memory_space<hbm>>
        %dma_start3A_28 = arith.constant 0 : i32
        %dma_start3A_29 = tpu.memref_slice %arg11[%mul3A_22, %dma_start3A_28] : memref<10240x128xf32, #tpu.memory_space<vmem_shared>> -> memref<640x128xf32, #tpu.memory_space<vmem_shared>>
        tpu.enqueue_dma source(%dma_start3A_29 : memref<640x128xf32, #tpu.memory_space<vmem_shared>>) target(%dma_start3A_27 : memref<640x128xf32, #tpu.memory_space<hbm>>) target_semaphore(%run_scoped3A : memref<!tpu.dma_semaphore, #tpu.memory_space<semaphore_mem>>)
        %dma_wait3A_30 = arith.constant 0 : i32
        %dma_wait3A_31 = tpu.memref_slice %arg6[%add3A, %dma_wait3A_30] : memref<20000x128xf32, #tpu.memory_space<hbm>> -> memref<640x128xf32, #tpu.memory_space<hbm>>
        %dma_wait3A_32 = arith.constant 0 : i32
        %dma_wait3A_33 = tpu.memref_slice %arg11[%mul3A_22, %dma_wait3A_32] : memref<10240x128xf32, #tpu.memory_space<vmem_shared>> -> memref<640x128xf32, #tpu.memory_space<vmem_shared>>
        tpu.wait_dma2 semaphore(%run_scoped3A : memref<!tpu.dma_semaphore, #tpu.memory_space<semaphore_mem>>) src(%dma_wait3A_33 : memref<640x128xf32, #tpu.memory_space<vmem_shared>>) dst(%dma_wait3A_31 : memref<640x128xf32, #tpu.memory_space<hbm>>)
        tpu.yield
      }) : () -> ()
    } else {
    }
    %eq3A = arith.constant 15 : i32
    %eq3A_17 = arith.cmpi eq, %arg1, %eq3A : i32
    %convert_element_type3A_18 = arith.extui %eq3A_17 : i1 to i32
    %cond3A_19 = arith.constant 0 : i32
    %cond3A_20 = arith.cmpi ne, %convert_element_type3A_18, %cond3A_19 : i32
    scf.if %cond3A_20 {
      %mul3A_21 = arith.constant 640 : i32
      %mul3A_22 = arith.muli %arg1, %mul3A_21 : i32
      %mul3A_23 = arith.constant 10000 : i32
      %mul3A_24 = arith.muli %arg0, %mul3A_23 : i32
      %mul3A_25 = arith.constant 640 : i32
      %mul3A_26 = arith.muli %arg1, %mul3A_25 : i32
      %add3A = arith.addi %mul3A_24, %mul3A_26 : i32
      "tpu.region"() ({
        %run_scoped3A = tpu.sem_alloc : memref<!tpu.dma_semaphore, #tpu.memory_space<semaphore_mem>>
        %dma_start3A = arith.constant 0 : i32
        %dma_start3A_27 = tpu.memref_slice %arg6[%add3A, %dma_start3A] : memref<20000x128xf32, #tpu.memory_space<hbm>> -> memref<400x128xf32, #tpu.memory_space<hbm>>
        %dma_start3A_28 = arith.constant 0 : i32
        %dma_start3A_29 = tpu.memref_slice %arg11[%mul3A_22, %dma_start3A_28] : memref<10240x128xf32, #tpu.memory_space<vmem_shared>> -> memref<400x128xf32, #tpu.memory_space<vmem_shared>>
        tpu.enqueue_dma source(%dma_start3A_29 : memref<400x128xf32, #tpu.memory_space<vmem_shared>>) target(%dma_start3A_27 : memref<400x128xf32, #tpu.memory_space<hbm>>) target_semaphore(%run_scoped3A : memref<!tpu.dma_semaphore, #tpu.memory_space<semaphore_mem>>)
        %dma_wait3A_30 = arith.constant 0 : i32
        %dma_wait3A_31 = tpu.memref_slice %arg6[%add3A, %dma_wait3A_30] : memref<20000x128xf32, #tpu.memory_space<hbm>> -> memref<400x128xf32, #tpu.memory_space<hbm>>
        %dma_wait3A_32 = arith.constant 0 : i32
        %dma_wait3A_33 = tpu.memref_slice %arg11[%mul3A_22, %dma_wait3A_32] : memref<10240x128xf32, #tpu.memory_space<vmem_shared>> -> memref<400x128xf32, #tpu.memory_space<vmem_shared>>
        tpu.wait_dma2 semaphore(%run_scoped3A : memref<!tpu.dma_semaphore, #tpu.memory_space<semaphore_mem>>) src(%dma_wait3A_33 : memref<400x128xf32, #tpu.memory_space<vmem_shared>>) dst(%dma_wait3A_31 : memref<400x128xf32, #tpu.memory_space<hbm>>)
        tpu.yield
      }) : () -> ()
    } else {
    }
    return
  }
}

module attributes {stable_mosaic.version = 14 : i64} {
  func.func @body(%arg0: i32, %arg1: memref<2x2000x128xf32, #tpu.memory_space<vmem>>, %arg2: memref<2000x16xf32, #tpu.memory_space<vmem>>, %arg3: memref<2000x2x128xf32, #tpu.memory_space<vmem>>, %arg4: memref<256x256xf32, #tpu.memory_space<vmem>>, %arg5: memref<1x256xf32, #tpu.memory_space<vmem>>, %arg6: memref<256x256xf32, #tpu.memory_space<vmem>>, %arg7: memref<2000x2x128xf32, #tpu.memory_space<vmem>>) attributes {dimension_semantics = [#tpu.dimension_semantics<arbitrary>], iteration_bounds = array<i64: 5>, scalar_prefetch = 0 : i64, scratch_operands = 0 : i64, tpu.core_type = #tpu.core_type<tc>, window_params = [{transform_indices = @transform_0, window_bounds = array<i64: 2, 2000, 128>}, {transform_indices = @transform_1, window_bounds = array<i64: 2000, 16>}, {transform_indices = @transform_2, window_bounds = array<i64: 2000, 2, 128>}, {pipeline_mode = #tpu.pipeline_mode<synchronous>, transform_indices = @transform_3, window_bounds = array<i64: 256, 256>}, {pipeline_mode = #tpu.pipeline_mode<synchronous>, transform_indices = @transform_4, window_bounds = array<i64: 1, 256>}, {pipeline_mode = #tpu.pipeline_mode<synchronous>, transform_indices = @transform_5, window_bounds = array<i64: 256, 256>}, {transform_indices = @transform_6, window_bounds = array<i64: 2000, 2, 128>}]} {
    %get3A = arith.constant 0 : index
    %get3A_0 = arith.constant 0 : index
    %get3A_1 = vector.load %arg2[%get3A, %get3A_0] : memref<2000x16xf32, #tpu.memory_space<vmem>>, vector<2000x16xf32>
    %reduce_sum3A = arith.constant dense<0.000000e+00> : vector<2000xf32>
    %reduce_sum3A_2 = vector.multi_reduction <add>, %get3A_1, %reduce_sum3A [1] : vector<2000x16xf32> to vector<2000xf32>
    %reshape3A = vector.shape_cast %reduce_sum3A_2 : vector<2000xf32> to vector<2000x1xf32>
    %max3A = arith.constant 1.000000e+00 : f32
    %max3A_3 = vector.broadcast %max3A : f32 to vector<2000x1xf32>
    %max3A_4 = arith.maximumf %reshape3A, %max3A_3 : vector<2000x1xf32>
    %get3A_5 = arith.constant 0 : index
    %get3A_6 = arith.constant 0 : index
    %get3A_7 = arith.constant 0 : index
    %get3A_8 = vector.load %arg1[%get3A_5, %get3A_6, %get3A_7] : memref<2x2000x128xf32, #tpu.memory_space<vmem>>, vector<1x2000x128xf32>
    %get3A_9 = vector.shape_cast %get3A_8 : vector<1x2000x128xf32> to vector<2000x128xf32>
    %get3A_10 = arith.constant 1 : index
    %get3A_11 = arith.constant 0 : index
    %get3A_12 = arith.constant 0 : index
    %get3A_13 = vector.load %arg1[%get3A_10, %get3A_11, %get3A_12] : memref<2x2000x128xf32, #tpu.memory_space<vmem>>, vector<1x2000x128xf32>
    %get3A_14 = vector.shape_cast %get3A_13 : vector<1x2000x128xf32> to vector<2000x128xf32>
    %concatenate3A = tpu.concatenate %get3A_9, %get3A_14 in 1 : vector<2000x128xf32>, vector<2000x128xf32> -> vector<2000x256xf32>
    %div3A = vector.broadcast %max3A_4 : vector<2000x1xf32> to vector<2000x256xf32>
    %div3A_15 = arith.divf %concatenate3A, %div3A : vector<2000x256xf32>
    %get3A_16 = arith.constant 0 : index
    %get3A_17 = arith.constant 0 : index
    %get3A_18 = arith.constant 0 : index
    %get3A_19 = vector.load %arg3[%get3A_16, %get3A_17, %get3A_18] : memref<2000x2x128xf32, #tpu.memory_space<vmem>>, vector<2000x1x128xf32>
    %get3A_20 = vector.shape_cast %get3A_19 : vector<2000x1x128xf32> to vector<2000x128xf32>
    %get3A_21 = arith.constant 0 : index
    %get3A_22 = arith.constant 1 : index
    %get3A_23 = arith.constant 0 : index
    %get3A_24 = vector.load %arg3[%get3A_21, %get3A_22, %get3A_23] : memref<2000x2x128xf32, #tpu.memory_space<vmem>>, vector<2000x1x128xf32>
    %get3A_25 = vector.shape_cast %get3A_24 : vector<2000x1x128xf32> to vector<2000x128xf32>
    %concatenate3A_26 = tpu.concatenate %get3A_20, %get3A_25 in 1 : vector<2000x128xf32>, vector<2000x128xf32> -> vector<2000x256xf32>
    %get3A_27 = arith.constant 0 : index
    %get3A_28 = arith.constant 0 : index
    %get3A_29 = vector.load %arg4[%get3A_27, %get3A_28] : memref<256x256xf32, #tpu.memory_space<vmem>>, vector<256x256xf32>
    %dot_general3A = arith.constant dense<0.000000e+00> : vector<2000x256xf32>
    %dot_general3A_30 = tpu.matmul %div3A_15, %get3A_29, %dot_general3A {dimension_numbers = #tpu.dot_dimension_numbers<[1], [0], [0], [1], [0, 0, 1, 1], [], []>, transpose_lhs_hint = false} : vector<2000x256xf32>, vector<256x256xf32>, vector<2000x256xf32> -> vector<2000x256xf32>
    %get3A_31 = arith.constant 0 : index
    %get3A_32 = arith.constant 0 : index
    %get3A_33 = vector.load %arg6[%get3A_31, %get3A_32] : memref<256x256xf32, #tpu.memory_space<vmem>>, vector<256x256xf32>
    %dot_general3A_34 = arith.constant dense<0.000000e+00> : vector<2000x256xf32>
    %dot_general3A_35 = tpu.matmul %concatenate3A_26, %get3A_33, %dot_general3A_34 {dimension_numbers = #tpu.dot_dimension_numbers<[1], [0], [0], [1], [0, 0, 1, 1], [], []>, transpose_lhs_hint = false} : vector<2000x256xf32>, vector<256x256xf32>, vector<2000x256xf32> -> vector<2000x256xf32>
    %add3A = arith.addf %dot_general3A_30, %dot_general3A_35 : vector<2000x256xf32>
    %get3A_36 = arith.constant 0 : index
    %get3A_37 = arith.constant 0 : index
    %get3A_38 = vector.load %arg5[%get3A_36, %get3A_37] : memref<1x256xf32, #tpu.memory_space<vmem>>, vector<1x256xf32>
    %add3A_39 = vector.broadcast %get3A_38 : vector<1x256xf32> to vector<2000x256xf32>
    %add3A_40 = arith.addf %add3A, %add3A_39 : vector<2000x256xf32>
    %max3A_41 = arith.constant 0.000000e+00 : f32
    %max3A_42 = vector.broadcast %max3A_41 : f32 to vector<2000x256xf32>
    %max3A_43 = arith.maximumf %add3A_40, %max3A_42 : vector<2000x256xf32>
    %slice3A = vector.extract_strided_slice %max3A_43 {offsets = [0, 0], sizes = [2000, 128], strides = [1, 1]} : vector<2000x256xf32> to vector<2000x128xf32>
    %swap3A = arith.constant 0 : index
    %swap3A_44 = arith.constant 0 : index
    %swap3A_45 = arith.constant 0 : index
    %swap3A_46 = vector.load %arg7[%swap3A, %swap3A_44, %swap3A_45] : memref<2000x2x128xf32, #tpu.memory_space<vmem>>, vector<2000x1x128xf32>
    %swap3A_47 = vector.shape_cast %swap3A_46 : vector<2000x1x128xf32> to vector<2000x128xf32>
    %swap3A_48 = vector.shape_cast %slice3A : vector<2000x128xf32> to vector<2000x1x128xf32>
    tpu.vector_store %arg7[%swap3A, %swap3A_44, %swap3A_45], %swap3A_48 {strides = array<i32>} : memref<2000x2x128xf32, #tpu.memory_space<vmem>>, vector<2000x1x128xf32>,
    %slice3A_49 = vector.extract_strided_slice %max3A_43 {offsets = [0, 128], sizes = [2000, 128], strides = [1, 1]} : vector<2000x256xf32> to vector<2000x128xf32>
    %swap3A_50 = arith.constant 0 : index
    %swap3A_51 = arith.constant 1 : index
    %swap3A_52 = arith.constant 0 : index
    %swap3A_53 = vector.load %arg7[%swap3A_50, %swap3A_51, %swap3A_52] : memref<2000x2x128xf32, #tpu.memory_space<vmem>>, vector<2000x1x128xf32>
    %swap3A_54 = vector.shape_cast %swap3A_53 : vector<2000x1x128xf32> to vector<2000x128xf32>
    %swap3A_55 = vector.shape_cast %slice3A_49 : vector<2000x128xf32> to vector<2000x1x128xf32>
    tpu.vector_store %arg7[%swap3A_50, %swap3A_51, %swap3A_52], %swap3A_55 {strides = array<i32>} : memref<2000x2x128xf32, #tpu.memory_space<vmem>>, vector<2000x1x128xf32>,
    return
  }
  func.func @transform_0(%arg0: i32) -> (i32, i32, i32) {
    %c0_i32 = arith.constant 0 : i32
    %c0_i32_0 = arith.constant 0 : i32
    %c0_i32_1 = arith.constant 0 : i32
    return %c0_i32, %arg0, %c0_i32_0 : i32, i32, i32
  }
  func.func @transform_1(%arg0: i32) -> (i32, i32) {
    %c0_i32 = arith.constant 0 : i32
    %c0_i32_0 = arith.constant 0 : i32
    return %arg0, %c0_i32 : i32, i32
  }
  func.func @transform_2(%arg0: i32) -> (i32, i32, i32) {
    %c0_i32 = arith.constant 0 : i32
    %c0_i32_0 = arith.constant 0 : i32
    %c0_i32_1 = arith.constant 0 : i32
    return %arg0, %c0_i32, %c0_i32_0 : i32, i32, i32
  }
  func.func @transform_3(%arg0: i32) -> (i32, i32) {
    %c0_i32 = arith.constant 0 : i32
    %c0_i32_0 = arith.constant 0 : i32
    %c0_i32_1 = arith.constant 0 : i32
    return %c0_i32, %c0_i32_0 : i32, i32
  }
  func.func @transform_4(%arg0: i32) -> (i32, i32) {
    %c0_i32 = arith.constant 0 : i32
    %c0_i32_0 = arith.constant 0 : i32
    %c0_i32_1 = arith.constant 0 : i32
    return %c0_i32, %c0_i32_0 : i32, i32
  }
  func.func @transform_5(%arg0: i32) -> (i32, i32) {
    %c0_i32 = arith.constant 0 : i32
    %c0_i32_0 = arith.constant 0 : i32
    %c0_i32_1 = arith.constant 0 : i32
    return %c0_i32, %c0_i32_0 : i32, i32
  }
  func.func @transform_6(%arg0: i32) -> (i32, i32, i32) {
    %c0_i32 = arith.constant 0 : i32
    %c0_i32_0 = arith.constant 0 : i32
    %c0_i32_1 = arith.constant 0 : i32
    return %arg0, %c0_i32, %c0_i32_0 : i32, i32, i32
  }
}

module attributes {stable_mosaic.version = 14 : i64} {
  func.func @body(%arg0: i32, %arg1: memref<2x2000x128xf32, #tpu.memory_space<vmem>>, %arg2: memref<2000x16xf32, #tpu.memory_space<vmem>>, %arg3: memref<2000x2x128xf32, #tpu.memory_space<vmem>>, %arg4: memref<256x256xf32, #tpu.memory_space<vmem>>, %arg5: memref<1x256xf32, #tpu.memory_space<vmem>>, %arg6: memref<256x256xf32, #tpu.memory_space<vmem>>, %arg7: memref<2000x256xf32, #tpu.memory_space<vmem>>) attributes {dimension_semantics = [#tpu.dimension_semantics<arbitrary>], iteration_bounds = array<i64: 5>, scalar_prefetch = 0 : i64, scratch_operands = 0 : i64, tpu.core_type = #tpu.core_type<tc>, window_params = [{transform_indices = @transform_0, window_bounds = array<i64: 2, 2000, 128>}, {transform_indices = @transform_1, window_bounds = array<i64: 2000, 16>}, {transform_indices = @transform_2, window_bounds = array<i64: 2000, 2, 128>}, {pipeline_mode = #tpu.pipeline_mode<synchronous>, transform_indices = @transform_3, window_bounds = array<i64: 256, 256>}, {pipeline_mode = #tpu.pipeline_mode<synchronous>, transform_indices = @transform_4, window_bounds = array<i64: 1, 256>}, {pipeline_mode = #tpu.pipeline_mode<synchronous>, transform_indices = @transform_5, window_bounds = array<i64: 256, 256>}, {transform_indices = @transform_6, window_bounds = array<i64: 2000, 256>}]} {
    %get3A = arith.constant 0 : index
    %get3A_0 = arith.constant 0 : index
    %get3A_1 = vector.load %arg2[%get3A, %get3A_0] : memref<2000x16xf32, #tpu.memory_space<vmem>>, vector<2000x16xf32>
    %reduce_sum3A = arith.constant dense<0.000000e+00> : vector<2000xf32>
    %reduce_sum3A_2 = vector.multi_reduction <add>, %get3A_1, %reduce_sum3A [1] : vector<2000x16xf32> to vector<2000xf32>
    %reshape3A = vector.shape_cast %reduce_sum3A_2 : vector<2000xf32> to vector<2000x1xf32>
    %max3A = arith.constant 1.000000e+00 : f32
    %max3A_3 = vector.broadcast %max3A : f32 to vector<2000x1xf32>
    %max3A_4 = arith.maximumf %reshape3A, %max3A_3 : vector<2000x1xf32>
    %get3A_5 = arith.constant 0 : index
    %get3A_6 = arith.constant 0 : index
    %get3A_7 = arith.constant 0 : index
    %get3A_8 = vector.load %arg1[%get3A_5, %get3A_6, %get3A_7] : memref<2x2000x128xf32, #tpu.memory_space<vmem>>, vector<1x2000x128xf32>
    %get3A_9 = vector.shape_cast %get3A_8 : vector<1x2000x128xf32> to vector<2000x128xf32>
    %get3A_10 = arith.constant 1 : index
    %get3A_11 = arith.constant 0 : index
    %get3A_12 = arith.constant 0 : index
    %get3A_13 = vector.load %arg1[%get3A_10, %get3A_11, %get3A_12] : memref<2x2000x128xf32, #tpu.memory_space<vmem>>, vector<1x2000x128xf32>
    %get3A_14 = vector.shape_cast %get3A_13 : vector<1x2000x128xf32> to vector<2000x128xf32>
    %concatenate3A = tpu.concatenate %get3A_9, %get3A_14 in 1 : vector<2000x128xf32>, vector<2000x128xf32> -> vector<2000x256xf32>
    %div3A = vector.broadcast %max3A_4 : vector<2000x1xf32> to vector<2000x256xf32>
    %div3A_15 = arith.divf %concatenate3A, %div3A : vector<2000x256xf32>
    %get3A_16 = arith.constant 0 : index
    %get3A_17 = arith.constant 0 : index
    %get3A_18 = arith.constant 0 : index
    %get3A_19 = vector.load %arg3[%get3A_16, %get3A_17, %get3A_18] : memref<2000x2x128xf32, #tpu.memory_space<vmem>>, vector<2000x1x128xf32>
    %get3A_20 = vector.shape_cast %get3A_19 : vector<2000x1x128xf32> to vector<2000x128xf32>
    %get3A_21 = arith.constant 0 : index
    %get3A_22 = arith.constant 1 : index
    %get3A_23 = arith.constant 0 : index
    %get3A_24 = vector.load %arg3[%get3A_21, %get3A_22, %get3A_23] : memref<2000x2x128xf32, #tpu.memory_space<vmem>>, vector<2000x1x128xf32>
    %get3A_25 = vector.shape_cast %get3A_24 : vector<2000x1x128xf32> to vector<2000x128xf32>
    %concatenate3A_26 = tpu.concatenate %get3A_20, %get3A_25 in 1 : vector<2000x128xf32>, vector<2000x128xf32> -> vector<2000x256xf32>
    %get3A_27 = arith.constant 0 : index
    %get3A_28 = arith.constant 0 : index
    %get3A_29 = vector.load %arg4[%get3A_27, %get3A_28] : memref<256x256xf32, #tpu.memory_space<vmem>>, vector<256x256xf32>
    %dot_general3A = arith.constant dense<0.000000e+00> : vector<2000x256xf32>
    %dot_general3A_30 = tpu.matmul %div3A_15, %get3A_29, %dot_general3A {dimension_numbers = #tpu.dot_dimension_numbers<[1], [0], [0], [1], [0, 0, 1, 1], [], []>, transpose_lhs_hint = false} : vector<2000x256xf32>, vector<256x256xf32>, vector<2000x256xf32> -> vector<2000x256xf32>
    %get3A_31 = arith.constant 0 : index
    %get3A_32 = arith.constant 0 : index
    %get3A_33 = vector.load %arg6[%get3A_31, %get3A_32] : memref<256x256xf32, #tpu.memory_space<vmem>>, vector<256x256xf32>
    %dot_general3A_34 = arith.constant dense<0.000000e+00> : vector<2000x256xf32>
    %dot_general3A_35 = tpu.matmul %concatenate3A_26, %get3A_33, %dot_general3A_34 {dimension_numbers = #tpu.dot_dimension_numbers<[1], [0], [0], [1], [0, 0, 1, 1], [], []>, transpose_lhs_hint = false} : vector<2000x256xf32>, vector<256x256xf32>, vector<2000x256xf32> -> vector<2000x256xf32>
    %add3A = arith.addf %dot_general3A_30, %dot_general3A_35 : vector<2000x256xf32>
    %get3A_36 = arith.constant 0 : index
    %get3A_37 = arith.constant 0 : index
    %get3A_38 = vector.load %arg5[%get3A_36, %get3A_37] : memref<1x256xf32, #tpu.memory_space<vmem>>, vector<1x256xf32>
    %add3A_39 = vector.broadcast %get3A_38 : vector<1x256xf32> to vector<2000x256xf32>
    %add3A_40 = arith.addf %add3A, %add3A_39 : vector<2000x256xf32>
    %max3A_41 = arith.constant 0.000000e+00 : f32
    %max3A_42 = vector.broadcast %max3A_41 : f32 to vector<2000x256xf32>
    %max3A_43 = arith.maximumf %add3A_40, %max3A_42 : vector<2000x256xf32>
    %swap3A = arith.constant 0 : index
    %swap3A_44 = arith.constant 0 : index
    %swap3A_45 = vector.load %arg7[%swap3A, %swap3A_44] : memref<2000x256xf32, #tpu.memory_space<vmem>>, vector<2000x256xf32>
    tpu.vector_store %arg7[%swap3A, %swap3A_44], %max3A_43 {strides = array<i32>} : memref<2000x256xf32, #tpu.memory_space<vmem>>, vector<2000x256xf32>,
    return
  }
  func.func @transform_0(%arg0: i32) -> (i32, i32, i32) {
    %c0_i32 = arith.constant 0 : i32
    %c0_i32_0 = arith.constant 0 : i32
    %c0_i32_1 = arith.constant 0 : i32
    return %c0_i32, %arg0, %c0_i32_0 : i32, i32, i32
  }
  func.func @transform_1(%arg0: i32) -> (i32, i32) {
    %c0_i32 = arith.constant 0 : i32
    %c0_i32_0 = arith.constant 0 : i32
    return %arg0, %c0_i32 : i32, i32
  }
  func.func @transform_2(%arg0: i32) -> (i32, i32, i32) {
    %c0_i32 = arith.constant 0 : i32
    %c0_i32_0 = arith.constant 0 : i32
    %c0_i32_1 = arith.constant 0 : i32
    return %arg0, %c0_i32, %c0_i32_0 : i32, i32, i32
  }
  func.func @transform_3(%arg0: i32) -> (i32, i32) {
    %c0_i32 = arith.constant 0 : i32
    %c0_i32_0 = arith.constant 0 : i32
    %c0_i32_1 = arith.constant 0 : i32
    return %c0_i32, %c0_i32_0 : i32, i32
  }
  func.func @transform_4(%arg0: i32) -> (i32, i32) {
    %c0_i32 = arith.constant 0 : i32
    %c0_i32_0 = arith.constant 0 : i32
    %c0_i32_1 = arith.constant 0 : i32
    return %c0_i32, %c0_i32_0 : i32, i32
  }
  func.func @transform_5(%arg0: i32) -> (i32, i32) {
    %c0_i32 = arith.constant 0 : i32
    %c0_i32_0 = arith.constant 0 : i32
    %c0_i32_1 = arith.constant 0 : i32
    return %c0_i32, %c0_i32_0 : i32, i32
  }
  func.func @transform_6(%arg0: i32) -> (i32, i32) {
    %c0_i32 = arith.constant 0 : i32
    %c0_i32_0 = arith.constant 0 : i32
    return %arg0, %c0_i32 : i32, i32
  }
}

</mosaic_0001>

<sc_bundles>
// kernel: kernel.6.cloned.1.call-start
scs
__scs_entry_jumppad:
0x0: {  	(pc) =	sbr.rel $0x88, $3  }
0x1: {  	(tag) =	ssettag $0x0;
	lr =	simm.s32 $0x1  }
0x2: {  	[smem:$0x3F99] =	sst lr;
	_ =	strace $0xD0000000  }
0x3: {  	_ = 	snop  }
0x4: {  	_ = 	snop  }
0x5: {  	_ = 	snop  }
0x6: {  	_ = 	snop  }
0x7: {  	_ = 	snop  }
__scs_overlays_trampoline_lowered:
0x8: {  	[smem:$0x3FA8] =	sst s0  }
0x9: {  	[smem:$0x3FA9] =	sst s1  }
0xa: {  	[smem:$0x3FAA] =	sst s2  }
0xb: {  	[smem:$0x3FAB] =	sst s3  }
0xc: {  	[smem:$0x3FAC] =	sst s4  }
0xd: {  	[smem:$0x3FAD] =	sst s5  }
0xe: {  	[smem:$0x3FAE] =	sst s6  }
0xf: {  	[smem:$0x3FAF] =	sst s7  }
0x10: {  	[smem:$0x3FB0] =	sst s8  }
0x11: {  	[smem:$0x3FB1] =	sst s9;
	s0 =	simm.s32 @!p0 $0x0  }
0x12: {  	s1 =	sld [smem:$0x3F97];
	s0 =	simm.s32 @p0 $0x1  }
0x13: {  	[smem:$0x3FB2] =	sst s0;
	s0 =	simm.s32 @!p1 $0x0  }
0x14: {  	s2 =	sld [smem:$0x3F96];
	s0 =	simm.s32 @p1 $0x1  }
0x15: {  	[smem:$0x3FB3] =	sst s0;
	s0 =	simm.s32 @!p2 $0x0  }
0x16: {  	s3 =	sld [smem:$0x3FDB];
	s0 =	simm.s32 @p2 $0x1  }
0x17: {  	s4 =	simm.s32 $0x1BF5;
	[smem:$0x3FB5] =	sst s0  }
0x18: {  	s0 =	sld [smem:$0x3F98];
	_ =	swait.ge [sflag:s4], $0x0  }
0x19: {  	s7 =	sld [smem:$0x3F99]  }
0x1a: {  	s8 =	sadd.s32 $0xFFFFE003, lr  }
0x1b: {  	s9 =	sadd.s32 $0xFFFFFEF7, lr;
	s5 =	simm.s32 $0xFFFFFFFF;
	p2 =	slt.u32 s8, $0xFFFFF086  }
0x1c: {  	p1 =	slt.u32 s9, $0xF7A;
	s5 =	simm.s32 @!p2 $0x0  }
0x1d: {  	s5 =	simm.s32 @p1 $0x1;
	p0 =	seq.s32 s7, s2  }
0x1e: {  	s7 =	smul.u32 @!p0 $0xF7A, s2;
	p2 =	seq.s32 @!p0 s5, $0x0  }
0x1f: {  	s9 =	smul.u32 $0xF7A, s1;
	s8 =	simm.s32 @!p0 $0x1BF5;
	p2 =	por !p2, p0  }
0x20: {  	[sflag:s8] =	ssyncset.s32 @!p0 $0xFFFFF086;
	s6 =	sadd.s32 @!p0 s3, s7;
	s7 =	simm.s32 @!p0 $0x108  }
0x21: {  	s3 =	sadd.s32 s3, s9;
	s6 =	sadd.s32 @!p0 $0x88, s6;
	s7 =	simm.s32 @p2 $0x1082  }
0x22: {  	[simem:s7], [sflag:s8] =	dma.local @!p0 [hbm:s6], $0xF7A  }
0x23: {  	s9 =	sor.u32 $0xD0000000, s2;
	s6 =	simm.s32 $0x108;
	_ =	swait.ge @!p0 [sflag:s8], $0x0  }
0x24: {  	s3 =	sadd.s32 $0x88, s3;
	s6 =	simm.s32 @!p1 $0x1082;
	[sflag:s4] =	ssyncset.s32 $0xFFFFF086  }
0x25: {  	[simem:s6], [sflag:s4] =	dma.local [hbm:s3], $0xF7A  }
0x26: {  	[smem:$0x3F99] =	sst s1;
	(tag) =	ssettag s2;
	_ =	strace s9  }
0x27: {  	s1 =	sld [smem:$0x3FA9]  }
0x28: {  	s2 =	sld [smem:$0x3FAA]  }
0x29: {  	s4 =	sld [smem:$0x3FAC]  }
0x2a: {  	p0 =	seq.s32 s5, $0x0;
	s5 =	sld [smem:$0x3FAD]  }
0x2b: {  	s6 =	sld [smem:$0x3FAE]  }
0x2c: {  	s7 =	sld [smem:$0x3FAF]  }
0x2d: {  	s3 =	simm.s32 $0x108;
	s8 =	sld [smem:$0x3FB0]  }
0x2e: {  	s3 =	simm.s32 @!p0 $0x1082;
	s9 =	sld [smem:$0x3FB1]  }
0x2f: {  	lr =	sadd.s32 s0, s3;
	s0 =	sld [smem:$0x3FA8]  }
0x30: {  	s3 =	sld [smem:$0x3FAB]  }
0x31: {  	[smem:$0x3FB4] =	sst s10  }
0x32: {  	s10 =	sld [smem:$0x3FB2];
	_ =	sdelay $0x3  }
0x33: {  	p0 =	seq.s32 s10, $0x1;
	s10 =	sld [smem:$0x3FB4];
	_ =	sdelay $0x3  }
0x34: {  	[smem:$0x3FB4] =	sst s10  }
0x35: {  	s10 =	sld [smem:$0x3FB3];
	_ =	sdelay $0x3  }
0x36: {  	p1 =	seq.s32 s10, $0x1;
	s10 =	sld [smem:$0x3FB4];
	_ =	sdelay $0x3  }
0x37: {  	[smem:$0x3FB4] =	sst s10  }
0x38: {  	s10 =	sld [smem:$0x3FB5]  }
0x39: {  	_ = 	snop;
	(pc) =	sbr.ind lr, $3  }
0x3a: {  	_ = 	snop  }
0x3b: {  	_ = 	snop  }
0x3c: {  	p2 =	seq.s32 s10, $0x1;
	s10 =	sld [smem:$0x3FB4]  }
0x3d: {  	_ =	shalt  }
0x3e: {  	_ =	shalt  }
0x3f: {  	_ =	shalt  }
0x40: {  	_ =	shalt  }
0x41: {  	_ =	shalt  }
0x42: {  	_ =	shalt  }
0x43: {  	_ =	shalt  }
0x44: {  	_ =	shalt  }
0x45: {  	_ =	shalt  }
0x46: {  	_ =	shalt  }
0x47: {  	_ =	shalt  }
0x48: {  	_ =	shalt  }
0x49: {  	_ =	shalt  }
0x4a: {  	_ =	shalt  }
0x4b: {  	_ =	shalt  }
0x4c: {  	_ =	shalt  }
0x4d: {  	_ =	shalt  }
0x4e: {  	_ =	shalt  }
0x4f: {  	_ =	shalt  }
0x50: {  	_ =	shalt  }
0x51: {  	_ =	shalt  }
0x52: {  	_ =	shalt  }
0x53: {  	_ =	shalt  }
0x54: {  	_ =	shalt  }
0x55: {  	_ =	shalt  }
0x56: {  	_ =	shalt  }
0x57: {  	_ =	shalt  }
0x58: {  	_ =	shalt  }
0x59: {  	_ =	shalt  }
0x5a: {  	_ =	shalt  }
0x5b: {  	_ =	shalt  }
0x5c: {  	_ =	shalt  }
0x5d: {  	_ =	shalt  }
0x5e: {  	_ =	shalt  }
0x5f: {  	_ =	shalt  }
0x60: {  	_ =	shalt  }
0x61: {  	_ =	shalt  }
0x62: {  	_ =	shalt  }
0x63: {  	_ =	shalt  }
0x64: {  	_ =	shalt  }
0x65: {  	_ =	shalt  }
0x66: {  	_ =	shalt  }
0x67: {  	_ =	shalt  }
0x68: {  	_ =	shalt  }
0x69: {  	_ =	shalt  }
0x6a: {  	_ =	shalt  }
0x6b: {  	_ =	shalt  }
0x6c: {  	_ =	shalt  }
0x6d: {  	_ =	shalt  }
0x6e: {  	_ =	shalt  }
0x6f: {  	_ =	shalt  }
0x70: {  	_ =	shalt  }
0x71: {  	_ =	shalt  }
0x72: {  	_ =	shalt  }
0x73: {  	_ =	shalt  }
0x74: {  	_ =	shalt  }
0x75: {  	_ =	shalt  }
0x76: {  	_ =	shalt  }
0x77: {  	_ =	shalt  }
0x78: {  	_ =	shalt  }
0x79: {  	_ =	shalt  }
0x7a: {  	_ =	shalt  }
0x7b: {  	_ =	shalt  }
0x7c: {  	_ =	shalt  }
0x7d: {  	_ =	shalt  }
0x7e: {  	_ =	shalt  }
0x7f: {  	_ =	shalt  }
0x80: {  	_ =	shalt  }
0x81: {  	_ =	shalt  }
0x82: {  	_ =	shalt  }
0x83: {  	_ =	shalt  }
0x84: {  	_ =	shalt  }
0x85: {  	_ =	shalt  }
0x86: {  	_ =	shalt  }
0x87: {  	_ =	shalt  }
.Lfunc_end0:
.L_simem_size_0:
called_computation_lowered:
.L_overlay_start_0:
0x88: {  	s2 =	sld [smem:$0x3FD9]  }
0x89: {  	s3 =	sld [smem:$0x3FFE];
	_ =	sdelay $0x1  }
0x8a: {  	s1 =	srdreg.scid  }
0x8b: {  	s0 =	sand.u32 $0x1, s1  }
0x8c: {  	s17 =	sshll.u32 s0, $0xA;
	s2 =	sadd.s32 s3, s2  }
0x8d: {  	s2 =	sadd.s32 s2, s17  }
0x8e: {  	[smem:$0x3FC0] =	sst s2  }
0x8f: {  	_ = 	snop  }
0x90: {  	s2 =	sld [smem:$0x3FD0];
	(tm) =	ssettm $0x1  }
0x91: {  	s18 =	sld [smem:$0x3FFB];
	_ =	sdelay $0x3  }
0x92: {  	_ =	strace s18  }
0x93: {  	s3 =	sld [smem:$0x3FFC];
	_ =	sdelay $0x3  }
0x94: {  	_ =	strace s3  }
0x95: {  	s3 =	sld [smem:$0x3FFD];
	_ =	sdelay $0x3  }
0x96: {  	_ =	strace s3  }
0x97: {  	_ =	strace $0x8FFFFFFF  }
0x98: {  	s19 =	sld [smem:$0x3FDB];
	_ =	sdelay $0x1  }
0x99: {  	s4 =	simm.s32 $_scs_section_size  }
0x9a: {  	s5 =	simm.s32 $_size__tile_overlayer_lowered;
	s6 =	simm.s32 $_tile_overlayer_lowered  }
0x9b: {  	s22 =	simm.s32 $0x1BFF;
	s21 =	sshll.u32 s6, $0x1;
	s3 =	sadd.s32 s4, s19  }
0x9c: {  	s7 =	simm.s32 $0x0;
	s20 =	sshll.u32 s5, $0x1;
	s5 =	sadd.s32 s21, s3  }
0x9d: {  	[timem:s7], [sflag:s22] =	dma.local [hbm:s5], s20  }
0x9e: {  	_ =	swait.ge [sflag:s22], s20  }
0x9f: {  	s4 =	ssub.s32 $0x0, s20;
	[sflag:s22] =	ssyncset.done $0x0  }
0xa0: {  	[sflag:s22] =	ssyncadd.s32 s4;
	_ =	sdelay $0x1  }
0xa1: {  	s23 =	simm.s32 $0x1B8B  }
0xa2: {  	_ =	swait.ge [sflag:s23], $0x1  }
0xa3: {  	[sflag:s23] =	ssyncset.done $0x0  }
0xa4: {  	s25 =	simm.s32 $0x1B8E;
	s24 =	sld [smem:$0x3FFE];
	[sflag:s23] =	ssyncadd.s32 $0xFFFFFFFF  }
0xa5: {  	s26 =	simm.s32 $execute0_lowered;
	[smem:$0x3FD2] =	sst s25  }
0xa6: {  	s5 =	sshll.u32 s26, $0x1;
	_ =	strace $0x80000046;
	[dreg:$0x1] =	wrdreg $0xFFFFFFFF  }
0xa7: {  	s28 =	simm.s32 $_size_execute0_lowered;
	s3 =	sadd.s32 s3, s5;
	[dreg:$0x0] =	wrdreg $0x0  }
0xa8: {  	s5 =	sshll.u32 s28, $0x1;
	[dreg:$0x2] =	wrdreg s3  }
0xa9: {  	[dreg:$0x3] =	wrdreg s5  }
0xaa: {  	[dreg:$0x4] =	wrdreg $0xC0  }
0xab: {  	_ =	task [dreg:s7], $0x5FFFF  }
0xac: {  	[dreg:$0x1] =	wrdreg $0xFFFFFFFF  }
0xad: {  	[dreg:$0x0] =	wrdreg $0x60  }
0xae: {  	[dreg:$0x2] =	wrdreg s24  }
0xaf: {  	[dreg:$0x3] =	wrdreg s2  }
0xb0: {  	[dreg:$0x4] =	wrdreg $0x90000  }
0xb1: {  	[dreg:$0x5] =	wrdreg $0x9  }
0xb2: {  	_ =	task.clear_ibuf [dreg:s7], $0x6FFFF;
	_ =	strace $0x90000046  }
0xb3: {  	s29 =	simm.s32 $0x9;
	_ =	strace $0x80000048  }
0xb4: {  	_ =	swait.ge [sflag:s29], $0x1  }
0xb5: {  	[sflag:s29] =	ssyncadd.s32 $0xFFFFFFFF  }
0xb6: {  	_ =	strace $0x90000048  }
0xb7: {  	_ =	sfence  }
0xb8: {  	s30 =	sld [smem:$0x0];
	_ =	sdelay $0x2  }
0xb9: {  	s31 =	sshll.u32 s1, $0xD;
	s1 =	sshrl.u32 s1, $0x2  }
0xba: {  	s3 =	sand.u32 $0x4000, s31;
	s1 =	sadd.s32 s1, s30  }
0xbb: {  	s0 =	sor.u32 s3, s0;
	s1 =	sshll.u32 s1, $0x11  }
0xbc: {  	s0 =	sor.u32 s1, s0  }
0xbd: {  	s0 =	sadd.s32 $0x8F2B, s0  }
0xbe: {  	[sflag:s0] =	ssyncadd.remote.s32 $0x1  }
0xbf: {  	_ =	sfence.sel $0xFFFF  }
0xc0: {  	[dreg:$0x0] =	wrdreg $0xFFFFFFFF;
	(pc) =	sbr.abs _section_cstart, $3  }
0xc1: {  	[dreg:$0x1] =	wrdreg $0xFFFFFFFF  }
0xc2: {  	_ =	task.clear_ibuf [dreg:s7], $0x2FFFF;
	_ =	strace $0x9FFFFFFF  }
0xc3: {  	(tm) =	ssettm $0x7FFFFFFF  }
tec
execute0_lowered:
.L_overlay_start_1:
0x0: {  	(tag) =	ssettag $0x1  }
0x1: {  	s0 =	rddreg [dreg:$0x0]  }
0x2: {  	s1 =	rddreg [dreg:$0x1]  }
0x3: {  	s3 =	rddreg [dreg:$0x2];
	s4 =	simm.s32 $0x0;
	s2 =	stileid.u32  }
0x4: {  	s10 =	srdreg.scid;
	s17 =	simm.s32 $0x5;
	s19 =	simm.s32 $0x80  }
0x5: {  	s20 =	simm.s32 $0x1000;
	s21 =	simm.s32 $0x1;
	s22 =	simm.s32 $0x5000  }
0x6: {  	s28 =	simm.s32 $0xF00;
	s29 =	simm.s32 $0x0;
	[smem:$0x7FF] =	sst s4  }
0x7: {  	s5 =	sadd.s32 $0x1600, s0;
	s7 =	sshrl.u32 s2, $0x3;
	s6 =	sadd.s32 $0xB600, s0  }
0x8: {  	s9 =	sshll.u32 s2, $0x7;
	s23 =	sadd.s32 $0x10600, s0;
	s13 =	sadd.s32 $0x17E00, s0  }
0x9: {  	s18 =	sand.u32 $0x1, s10;
	s24 =	smul.u32 $0x50000, s2;
	s26 =	sshll.u32 s2, $0x6  }
0xa: {  	p1 =	seq.s32 s2, $0xF;
	_ =	strace $0x80000047;
	s8 =	smul.u32 $0x14000, s7  }
0xb: {  	[dreg:$0x4] =	wrdreg s23;
	s9 =	sand.u32 $0x380, s9;
	s11 =	smul.u32 $0x27100, s18  }
0xc: {  	s25 =	ssub.s32 $0x2, s18;
	s14 =	smul.u32 $0x138800, s18;
	p0 =	sne.s32 s18, $0x0  }
0xd: {  	s23 =	simm.s32 $0x4;
	s12 =	sshrl.u32 s25, $0x1;
	s10 =	sshrl.u32 s24, $0x2  }
0xe: {  	s24 =	simm.s32 $0x2;
	s9 =	sor.u32 s9, s8;
	s8 =	smul.u32 $0x2800, s2  }
0xf: {  	s15 =	ssub.s32 s25, s12;
	s14 =	sshrl.u32 s14, $0x3;
	s9 =	sshrl.u32 s9, $0x3  }
0x10: {  	s25 =	simm.s32 $0x3;
	s15 =	smax.u32 s15, $0x1;
	s0 =	sadd.s32 s9, s0  }
0x11: {  	s9 =	sadd.s32 s10, s3;
	s10 =	sor.u32 $0x1C05, s26;
	s30 =	sadd.s32 s8, s11  }
0x12: {  	s11 =	smul.u32 $0x28000, s18;
	s18 =	simm.s32 $0x800;
	s26 =	simm.s32 $0x780  }
0x13: {  	s31 =	sadd.s32 s13, s30;
	s13 =	sadd.s32 s13, s14;
	s14 =	sadd.s32 $0x12E00, s0  }
0x14: {  	v0 =	vimm.f32 $0.0e+00;
	s16 =	sshrl.u32 s9, $0x3;
	[dreg:$0x5] =	wrdreg s31;
	s13 =	sadd.s32 $0x25800, s13  }
.LBB2_1:
0x15: {  	s0 =	rddreg [dreg:$0x4]  }
0x16: {  	[spmem:s16], [sflag:s10] =	dma.local [hbm:s0], $0x2800  }
0x17: {  	_ =	swait.ge [sflag:s17], $0x2800  }
0x18: {  	[sflag:s17] =	ssyncset.done $0x0  }
0x19: {  	s30 =	simm.s32 $0x0;
	s0 =	simm.s32 $0x40;
	[sflag:s17] =	ssyncadd.s32 $0xFFFFD800  }
.LBB2_2:
0x1a: {  	p2 =	sne.s32 s0, $0x9FC0;
	[tilespmem:s30+$0x1D000] =	vst v0;
	s30 =	smov.u32 s0;
	s0 =	sadd.s32 $0x40, s0  }
.Ltmp0:
0x1b: {  	(pc) =	sbr.rel @p2 .LBB2_2-.Ltmp0, $2  }
0x1c: {  	_ =	sdelay $0x2  }
0x1d: {  	s30 =	sshra.s32 s30, $0x2  }
0x1e: {  	[tilespmem:s30+$0x1D000] =	vst v0  }
0x1f: {  	s30 =	simm.s32 $0x0;
	[bflag:$0x0] =	sbarrier.arrive $0xFFFF  }
.LBB2_4:
0x20: {  	p2 =	seq.s32 s30, $0x0;
	s0 =	sshll.u32 s30, $0xB  }
0x21: {  	s31 =	simm.s32 @!p2 $0x4;
	s0 =	sadd.s32 s8, s0  }
0x22: {  	_ =	swait.ge @!p2 [sflag:s31], $0x4000;
	s2 =	sadd.s32 s11, s0  }
0x23: {  	[sflag:s31] =	ssyncset.done @!p2 $0x0;
	s2 =	sshrl.u32 s2, $0x3  }
0x24: {  	[sflag:s31] =	ssyncadd.s32 @!p2 $0xFFFFC000;
	s2 =	sadd.s32 s5, s2  }
0x25: {  	[tilespmem:s4], [sflag:$0x5] =	stream.linear.gather [hbm4b:s2+s4], $0x800, $0x38;
	[tilespmem:$0x1F800] =	vst v63  }
0x26: {  	_ =	swait.ge [sflag:s17], $0x800  }
0x27: {  	s0 =	sshrl.u32 s0, $0x3;
	[sflag:s17] =	ssyncset.done $0x0  }
0x28: {  	s0 =	sadd.s32 s6, s0;
	[sflag:s17] =	ssyncadd.s32 $0xFFFFF800  }
0x29: {  	[tilespmem:s18], [sflag:$0x5] =	stream.linear.gather [hbm4b:s0+s4], $0x800, $0x38;
	[tilespmem:$0x1F800] =	vst v63  }
0x2a: {  	_ =	swait.ge [sflag:s17], $0x800  }
0x2b: {  	[sflag:s17] =	ssyncset.done $0x0  }
0x2c: {  	[sflag:s17] =	ssyncadd.s32 $0xFFFFF800  }
0x2d: {  	[tilespmem:s20], [sflag:$0x1] =	stream.indirect.gather [hbm4b:s1+s19], $0x80, s4, s19, $0xb8;
	[tilespmem:$0x1F800] =	vst v63  }
0x2e: {  	_ =	swait.ge [sflag:s21], $0x4000  }
0x2f: {  	[sflag:s21] =	ssyncset.done $0x0  }
0x30: {  	[sflag:s21] =	ssyncadd.s32 $0xFFFFC000  }
0x31: {  	[tilespmem:s22], [sflag:$0x2] =	stream.indirect.gather [hbm4b:s1+s19], $0x80, s19, s19, $0xb8;
	[tilespmem:$0x1F800] =	vst v63  }
0x32: {  	s0 =	simm.s32 @p0 $0x2  }
0x33: {  	[spmem:s3] =	stream.indirect.scatter.add.f32 [tilespmem:s20], [sflag:$0x3], $0x80, s18, s19, $0xb8;
	[tilespmem:$0x1F800] =	vst v63  }
0x34: {  	_ =	swait.ge @p0 [sflag:s0], $0x4000  }
0x35: {  	[sflag:s0] =	ssyncset.done @p0 $0x0  }
0x36: {  	[sflag:s0] =	ssyncadd.s32 @p0 $0xFFFFC000;
	s0 =	simm.s32 @p0 $0x3  }
0x37: {  	_ =	swait.ge @p0 [sflag:s0], $0x4000  }
0x38: {  	s31 =	simm.s32 @p0 $0x1000;
	[sflag:s0] =	ssyncset.done @p0 $0x0  }
0x39: {  	s2 =	simm.s32 @p0 $0x100;
	[sflag:s0] =	ssyncadd.s32 @p0 $0xFFFFC000;
	s0 =	simm.s32 @p0 $0x80  }
0x3a: {  	[tilespmem:s31], [sflag:$0x1] =	stream.indirect.gather @p0 [hbm4b:s1+s0], $0x80, s2, s0, $0xb8;
	[tilespmem:$0x1F800] =	vst v63  }
0x3b: {  	s2 =	simm.s32 @p0 $0x880;
	s31 =	simm.s32 @p0 $0x5000  }
0x3c: {  	[spmem:s3] =	stream.indirect.scatter.add.f32 @p0 [tilespmem:s31], [sflag:$0x4], $0x80, s2, s0, $0xb8;
	[tilespmem:$0x1F800] =	vst v63  }
0x3d: {  	v2 =	vld @!p0 [tilespmem:$0x800];
	_ =	sdelay $0x6  }
0x3e: {  	v1 =	vimm.f32 @!p0 $1.000000000e+00;
	s31 =	simm.s32 @!p0 $0x1D000  }
0x3f: {  	[tilespmem:v2+s31+$0x0] =	vst.idx.add.f32.msk @!p0 $0xffff, v1  }
0x40: {  	v2 =	vld @!p0 [tilespmem:$0x810];
	_ =	sdelay $0x7  }
0x41: {  	[tilespmem:v2+s31+$0x0] =	vst.idx.add.f32.msk @!p0 $0xffff, v1  }
0x42: {  	v2 =	vld @!p0 [tilespmem:$0x820];
	_ =	sdelay $0x7  }
0x43: {  	[tilespmem:v2+s31+$0x0] =	vst.idx.add.f32.msk @!p0 $0xffff, v1  }
0x44: {  	v2 =	vld @!p0 [tilespmem:$0x830];
	_ =	sdelay $0x7  }
0x45: {  	[tilespmem:v2+s31+$0x0] =	vst.idx.add.f32.msk @!p0 $0xffff, v1  }
0x46: {  	v2 =	vld @!p0 [tilespmem:$0x840];
	_ =	sdelay $0x7  }
0x47: {  	[tilespmem:v2+s31+$0x0] =	vst.idx.add.f32.msk @!p0 $0xffff, v1  }
0x48: {  	v2 =	vld @!p0 [tilespmem:$0x850];
	_ =	sdelay $0x7  }
0x49: {  	[tilespmem:v2+s31+$0x0] =	vst.idx.add.f32.msk @!p0 $0xffff, v1  }
0x4a: {  	v2 =	vld @!p0 [tilespmem:$0x860];
	_ =	sdelay $0x7  }
0x4b: {  	[tilespmem:v2+s31+$0x0] =	vst.idx.add.f32.msk @!p0 $0xffff, v1  }
0x4c: {  	v2 =	vld @!p0 [tilespmem:$0x870];
	_ =	sdelay $0x7  }
0x4d: {  	s0 =	simm.s32 @!p0 $0x2;
	[tilespmem:v2+s31+$0x0] =	vst.idx.add.f32.msk @!p0 $0xffff, v1  }
0x4e: {  	_ =	swait.ge @!p0 [sflag:s0], $0x4000  }
0x4f: {  	[sflag:s0] =	ssyncset.done @!p0 $0x0  }
0x50: {  	[sflag:s0] =	ssyncadd.s32 @!p0 $0xFFFFC000;
	s0 =	simm.s32 @!p0 $0x3  }
0x51: {  	_ =	swait.ge @!p0 [sflag:s0], $0x4000  }
0x52: {  	s7 =	simm.s32 @!p0 $0x1000;
	[sflag:s0] =	ssyncset.done @!p0 $0x0  }
0x53: {  	s2 =	simm.s32 @!p0 $0x100;
	[sflag:s0] =	ssyncadd.s32 @!p0 $0xFFFFC000;
	s0 =	simm.s32 @!p0 $0x80  }
0x54: {  	[tilespmem:s7], [sflag:$0x1] =	stream.indirect.gather @!p0 [hbm4b:s1+s0], $0x80, s2, s0, $0xb8;
	[tilespmem:$0x1F800] =	vst v63  }
0x55: {  	s2 =	simm.s32 @!p0 $0x880;
	s7 =	simm.s32 @!p0 $0x5000  }
0x56: {  	[spmem:s3] =	stream.indirect.scatter.add.f32 @!p0 [tilespmem:s7], [sflag:$0x4], $0x80, s2, s0, $0xb8;
	[tilespmem:$0x1F800] =	vst v63  }
0x57: {  	v2 =	vld @!p0 [tilespmem:$0x880];
	_ =	sdelay $0x7  }
0x58: {  	[tilespmem:v2+s31+$0x0] =	vst.idx.add.f32.msk @!p0 $0xffff, v1  }
0x59: {  	v2 =	vld @!p0 [tilespmem:$0x890];
	_ =	sdelay $0x7  }
0x5a: {  	[tilespmem:v2+s31+$0x0] =	vst.idx.add.f32.msk @!p0 $0xffff, v1  }
0x5b: {  	v2 =	vld @!p0 [tilespmem:$0x8A0];
	_ =	sdelay $0x7  }
0x5c: {  	[tilespmem:v2+s31+$0x0] =	vst.idx.add.f32.msk @!p0 $0xffff, v1  }
0x5d: {  	v2 =	vld @!p0 [tilespmem:$0x8B0];
	_ =	sdelay $0x7  }
0x5e: {  	[tilespmem:v2+s31+$0x0] =	vst.idx.add.f32.msk @!p0 $0xffff, v1  }
0x5f: {  	v2 =	vld @!p0 [tilespmem:$0x8C0];
	_ =	sdelay $0x7  }
0x60: {  	[tilespmem:v2+s31+$0x0] =	vst.idx.add.f32.msk @!p0 $0xffff, v1  }
0x61: {  	v2 =	vld @!p0 [tilespmem:$0x8D0];
	_ =	sdelay $0x7  }
0x62: {  	[tilespmem:v2+s31+$0x0] =	vst.idx.add.f32.msk @!p0 $0xffff, v1  }
0x63: {  	v2 =	vld @!p0 [tilespmem:$0x8E0];
	_ =	sdelay $0x7  }
0x64: {  	[tilespmem:v2+s31+$0x0] =	vst.idx.add.f32.msk @!p0 $0xffff, v1  }
0x65: {  	v2 =	vld @!p0 [tilespmem:$0x8F0];
	_ =	sdelay $0x7  }
0x66: {  	s0 =	simm.s32 $0x0;
	[tilespmem:v2+s31+$0x0] =	vst.idx.add.f32.msk @!p0 $0xffff, v1  }
.LBB2_5:
0x67: {  	_ =	swait.ge [sflag:s21], $0x4000  }
0x68: {  	[sflag:s21] =	ssyncset.done $0x0  }
0x69: {  	[sflag:s21] =	ssyncadd.s32 $0xFFFFC000  }
0x6a: {  	_ =	swait.ge [sflag:s23], $0x4000  }
0x6b: {  	s2 =	sshra.s32 s0, $0x2;
	[sflag:s23] =	ssyncset.done $0x0  }
0x6c: {  	s7 =	sadd.s32 $0x180, s2;
	[sflag:s23] =	ssyncadd.s32 $0xFFFFC000  }
0x6d: {  	[tilespmem:s22], [sflag:$0x2] =	stream.indirect.gather [hbm4b:s1+s19], $0x80, s7, s19, $0xb8;
	[tilespmem:$0x1F800] =	vst v63  }
0x6e: {  	s12 =	sadd.s32 $0x900, s2  }
0x6f: {  	[spmem:s3] =	stream.indirect.scatter.add.f32 [tilespmem:s20], [sflag:$0x3], $0x80, s12, s19, $0xb8;
	[tilespmem:$0x1F800] =	vst v63  }
0x70: {  	v2 =	vld @!p0 [tilespmem:s2+$0x900];
	_ =	sdelay $0x7  }
0x71: {  	s7 =	sshra.s32 @!p0 s0, $0x2;
	[tilespmem:v2+s31+$0x0] =	vst.idx.add.f32.msk @!p0 $0xffff, v1  }
0x72: {  	v2 =	vld @!p0 [tilespmem:s7+$0x910];
	_ =	sdelay $0x7  }
0x73: {  	[tilespmem:v2+s31+$0x0] =	vst.idx.add.f32.msk @!p0 $0xffff, v1  }
0x74: {  	v2 =	vld @!p0 [tilespmem:s7+$0x920];
	_ =	sdelay $0x7  }
0x75: {  	[tilespmem:v2+s31+$0x0] =	vst.idx.add.f32.msk @!p0 $0xffff, v1  }
0x76: {  	v2 =	vld @!p0 [tilespmem:s7+$0x930];
	_ =	sdelay $0x7  }
0x77: {  	[tilespmem:v2+s31+$0x0] =	vst.idx.add.f32.msk @!p0 $0xffff, v1  }
0x78: {  	v2 =	vld @!p0 [tilespmem:s7+$0x940];
	_ =	sdelay $0x7  }
0x79: {  	[tilespmem:v2+s31+$0x0] =	vst.idx.add.f32.msk @!p0 $0xffff, v1  }
0x7a: {  	v2 =	vld @!p0 [tilespmem:s7+$0x950];
	_ =	sdelay $0x7  }
0x7b: {  	[tilespmem:v2+s31+$0x0] =	vst.idx.add.f32.msk @!p0 $0xffff, v1  }
0x7c: {  	v2 =	vld @!p0 [tilespmem:s7+$0x960];
	_ =	sdelay $0x7  }
0x7d: {  	[tilespmem:v2+s31+$0x0] =	vst.idx.add.f32.msk @!p0 $0xffff, v1  }
0x7e: {  	v2 =	vld @!p0 [tilespmem:s7+$0x970];
	_ =	sdelay $0x7  }
0x7f: {  	[tilespmem:v2+s31+$0x0] =	vst.idx.add.f32.msk @!p0 $0xffff, v1  }
0x80: {  	_ =	swait.ge [sflag:s24], $0x4000  }
0x81: {  	[sflag:s24] =	ssyncset.done $0x0  }
0x82: {  	[sflag:s24] =	ssyncadd.s32 $0xFFFFC000  }
0x83: {  	_ =	swait.ge [sflag:s25], $0x4000  }
0x84: {  	[sflag:s25] =	ssyncset.done $0x0  }
0x85: {  	s12 =	sadd.s32 $0x200, s2;
	[sflag:s25] =	ssyncadd.s32 $0xFFFFC000  }
0x86: {  	[tilespmem:s20], [sflag:$0x1] =	stream.indirect.gather [hbm4b:s1+s19], $0x80, s12, s19, $0xb8;
	[tilespmem:$0x1F800] =	vst v63  }
0x87: {  	s12 =	sadd.s32 $0x980, s2  }
0x88: {  	[spmem:s3] =	stream.indirect.scatter.add.f32 [tilespmem:s22], [sflag:$0x4], $0x80, s12, s19, $0xb8;
	[tilespmem:$0x1F800] =	vst v63  }
0x89: {  	v2 =	vld @!p0 [tilespmem:s2+$0x980];
	_ =	sdelay $0x7  }
0x8a: {  	[tilespmem:v2+s31+$0x0] =	vst.idx.add.f32.msk @!p0 $0xffff, v1  }
0x8b: {  	v2 =	vld @!p0 [tilespmem:s7+$0x990];
	_ =	sdelay $0x7  }
0x8c: {  	[tilespmem:v2+s31+$0x0] =	vst.idx.add.f32.msk @!p0 $0xffff, v1  }
0x8d: {  	v2 =	vld @!p0 [tilespmem:s7+$0x9A0];
	_ =	sdelay $0x7  }
0x8e: {  	[tilespmem:v2+s31+$0x0] =	vst.idx.add.f32.msk @!p0 $0xffff, v1  }
0x8f: {  	v2 =	vld @!p0 [tilespmem:s7+$0x9B0];
	_ =	sdelay $0x7  }
0x90: {  	[tilespmem:v2+s31+$0x0] =	vst.idx.add.f32.msk @!p0 $0xffff, v1  }
0x91: {  	v2 =	vld @!p0 [tilespmem:s7+$0x9C0];
	_ =	sdelay $0x7  }
0x92: {  	[tilespmem:v2+s31+$0x0] =	vst.idx.add.f32.msk @!p0 $0xffff, v1  }
0x93: {  	v2 =	vld @!p0 [tilespmem:s7+$0x9D0];
	_ =	sdelay $0x7  }
0x94: {  	[tilespmem:v2+s31+$0x0] =	vst.idx.add.f32.msk @!p0 $0xffff, v1  }
0x95: {  	v2 =	vld @!p0 [tilespmem:s7+$0x9E0];
	_ =	sdelay $0x7  }
0x96: {  	[tilespmem:v2+s31+$0x0] =	vst.idx.add.f32.msk @!p0 $0xffff, v1  }
0x97: {  	v2 =	vld @!p0 [tilespmem:s7+$0x9F0];
	_ =	sdelay $0x1  }
0x98: {  	s0 =	sadd.s32 $0x400, s0  }
0x99: {  	p2 =	sne.s32 s0, $0x1800  }
.Ltmp1:
0x9a: {  	_ = 	snop;
	(pc) =	sbr.rel @p2 .LBB2_5-.Ltmp1, $2  }
0x9b: {  	_ =	sdelay $0x2  }
0x9c: {  	[tilespmem:v2+s31+$0x0] =	vst.idx.add.f32.msk @!p0 $0xffff, v1  }
0x9d: {  	_ =	swait.ge [sflag:s21], $0x4000  }
0x9e: {  	[sflag:s21] =	ssyncset.done $0x0  }
0x9f: {  	[sflag:s21] =	ssyncadd.s32 $0xFFFFC000  }
0xa0: {  	_ =	swait.ge [sflag:s23], $0x4000  }
0xa1: {  	[sflag:s23] =	ssyncset.done $0x0  }
0xa2: {  	[sflag:s23] =	ssyncadd.s32 $0xFFFFC000  }
0xa3: {  	[tilespmem:s22], [sflag:$0x2] =	stream.indirect.gather [hbm4b:s1+s19], $0x80, s26, s19, $0xb8;
	[tilespmem:$0x1F800] =	vst v63  }
0xa4: {  	s0 =	simm.s32 @p0 $0x2  }
0xa5: {  	[spmem:s3] =	stream.indirect.scatter.add.f32 [tilespmem:s20], [sflag:$0x3], $0x80, s28, s19, $0xb8;
	[tilespmem:$0x1F800] =	vst v63  }
0xa6: {  	_ =	swait.ge @p0 [sflag:s0], $0x4000  }
0xa7: {  	[sflag:s0] =	ssyncset.done @p0 $0x0  }
0xa8: {  	[sflag:s0] =	ssyncadd.s32 @p0 $0xFFFFC000;
	s0 =	simm.s32 @p0 $0x3  }
0xa9: {  	_ =	swait.ge @p0 [sflag:s0], $0x4000  }
0xaa: {  	s2 =	simm.s32 @p0 $0xF80;
	[sflag:s0] =	ssyncset.done @p0 $0x0  }
0xab: {  	s7 =	simm.s32 @p0 $0x5000;
	[sflag:s0] =	ssyncadd.s32 @p0 $0xFFFFC000;
	s0 =	simm.s32 @p0 $0x80  }
0xac: {  	[spmem:s3] =	stream.indirect.scatter.add.f32 @p0 [tilespmem:s7], [sflag:$0x4], $0x80, s2, s0, $0xb8;
	[tilespmem:$0x1F800] =	vst v63  }
0xad: {  	v1 =	vld @!p0 [tilespmem:$0xF00];
	_ =	sdelay $0x6  }
0xae: {  	v2 =	vimm.f32 @!p0 $1.000000000e+00;
	s31 =	simm.s32 @!p0 $0x1D000  }
0xaf: {  	[tilespmem:v1+s31+$0x0] =	vst.idx.add.f32.msk @!p0 $0xffff, v2  }
0xb0: {  	v1 =	vld @!p0 [tilespmem:$0xF10];
	_ =	sdelay $0x7  }
0xb1: {  	[tilespmem:v1+s31+$0x0] =	vst.idx.add.f32.msk @!p0 $0xffff, v2  }
0xb2: {  	v1 =	vld @!p0 [tilespmem:$0xF20];
	_ =	sdelay $0x7  }
0xb3: {  	[tilespmem:v1+s31+$0x0] =	vst.idx.add.f32.msk @!p0 $0xffff, v2  }
0xb4: {  	v1 =	vld @!p0 [tilespmem:$0xF30];
	_ =	sdelay $0x7  }
0xb5: {  	[tilespmem:v1+s31+$0x0] =	vst.idx.add.f32.msk @!p0 $0xffff, v2  }
0xb6: {  	v1 =	vld @!p0 [tilespmem:$0xF40];
	_ =	sdelay $0x7  }
0xb7: {  	[tilespmem:v1+s31+$0x0] =	vst.idx.add.f32.msk @!p0 $0xffff, v2  }
0xb8: {  	v1 =	vld @!p0 [tilespmem:$0xF50];
	_ =	sdelay $0x7  }
0xb9: {  	[tilespmem:v1+s31+$0x0] =	vst.idx.add.f32.msk @!p0 $0xffff, v2  }
0xba: {  	v1 =	vld @!p0 [tilespmem:$0xF60];
	_ =	sdelay $0x7  }
0xbb: {  	[tilespmem:v1+s31+$0x0] =	vst.idx.add.f32.msk @!p0 $0xffff, v2  }
0xbc: {  	v1 =	vld @!p0 [tilespmem:$0xF70];
	_ =	sdelay $0x7  }
0xbd: {  	s0 =	simm.s32 @!p0 $0x2;
	[tilespmem:v1+s31+$0x0] =	vst.idx.add.f32.msk @!p0 $0xffff, v2  }
0xbe: {  	_ =	swait.ge @!p0 [sflag:s0], $0x4000  }
0xbf: {  	[sflag:s0] =	ssyncset.done @!p0 $0x0  }
0xc0: {  	[sflag:s0] =	ssyncadd.s32 @!p0 $0xFFFFC000;
	s0 =	simm.s32 @!p0 $0x3  }
0xc1: {  	_ =	swait.ge @!p0 [sflag:s0], $0x4000  }
0xc2: {  	s2 =	simm.s32 @!p0 $0xF80;
	[sflag:s0] =	ssyncset.done @!p0 $0x0  }
0xc3: {  	s7 =	simm.s32 @!p0 $0x5000;
	[sflag:s0] =	ssyncadd.s32 @!p0 $0xFFFFC000;
	s0 =	simm.s32 @!p0 $0x80  }
0xc4: {  	[spmem:s3] =	stream.indirect.scatter.add.f32 @!p0 [tilespmem:s7], [sflag:$0x4], $0x80, s2, s0, $0xb8;
	[tilespmem:$0x1F800] =	vst v63  }
0xc5: {  	v1 =	vld @!p0 [tilespmem:$0xF80];
	_ =	sdelay $0x7  }
0xc6: {  	[tilespmem:v1+s31+$0x0] =	vst.idx.add.f32.msk @!p0 $0xffff, v2  }
0xc7: {  	v1 =	vld @!p0 [tilespmem:$0xF90];
	_ =	sdelay $0x7  }
0xc8: {  	[tilespmem:v1+s31+$0x0] =	vst.idx.add.f32.msk @!p0 $0xffff, v2  }
0xc9: {  	v1 =	vld @!p0 [tilespmem:$0xFA0];
	_ =	sdelay $0x7  }
0xca: {  	[tilespmem:v1+s31+$0x0] =	vst.idx.add.f32.msk @!p0 $0xffff, v2  }
0xcb: {  	v1 =	vld @!p0 [tilespmem:$0xFB0];
	_ =	sdelay $0x7  }
0xcc: {  	[tilespmem:v1+s31+$0x0] =	vst.idx.add.f32.msk @!p0 $0xffff, v2  }
0xcd: {  	v1 =	vld @!p0 [tilespmem:$0xFC0];
	_ =	sdelay $0x7  }
0xce: {  	[tilespmem:v1+s31+$0x0] =	vst.idx.add.f32.msk @!p0 $0xffff, v2  }
0xcf: {  	v1 =	vld @!p0 [tilespmem:$0xFD0];
	_ =	sdelay $0x7  }
0xd0: {  	[tilespmem:v1+s31+$0x0] =	vst.idx.add.f32.msk @!p0 $0xffff, v2  }
0xd1: {  	v1 =	vld @!p0 [tilespmem:$0xFE0];
	_ =	sdelay $0x7  }
0xd2: {  	[tilespmem:v1+s31+$0x0] =	vst.idx.add.f32.msk @!p0 $0xffff, v2  }
0xd3: {  	v1 =	vld @!p0 [tilespmem:$0xFF0];
	_ =	sdelay $0x1  }
0xd4: {  	s30 =	sadd.s32 $0x1, s30  }
0xd5: {  	p2 =	sne.s32 s30, $0x5  }
.Ltmp2:
0xd6: {  	_ = 	snop;
	(pc) =	sbr.rel @p2 .LBB2_4-.Ltmp2, $2  }
0xd7: {  	_ =	sdelay $0x2  }
0xd8: {  	[tilespmem:v1+s31+$0x0] =	vst.idx.add.f32.msk @!p0 $0xffff, v2  }
0xd9: {  	_ =	swait.ge [sflag:s23], $0x4000  }
0xda: {  	[sflag:s23] =	ssyncset.done $0x0  }
0xdb: {  	[sflag:s23] =	ssyncadd.s32 $0xFFFFC000  }
0xdc: {  	s2 =	sshrl.u32 @p1 s9, $0x3;
	[bflag:$0x0] =	sbarrier.arrive $0xFFFF  }
0xdd: {  	[hbm:s13], [sflag:s10] =	dma.local @p1 [spmem:s2], $0x1900  }
0xde: {  	s2 =	simm.s32 @p1 $0x5  }
0xdf: {  	_ =	swait.ge @p1 [sflag:s2], $0x1900  }
0xe0: {  	[sflag:s2] =	ssyncset.done @p1 $0x0  }
0xe1: {  	s7 =	rddreg [dreg:$0x5];
	[sflag:s2] =	ssyncadd.s32 @p1 $0xFFFFE700;
	s2 =	sshrl.u32 @!p1 s9, $0x3  }
0xe2: {  	[hbm:s7], [sflag:s10] =	dma.local @!p1 [spmem:s2], $0x2800  }
0xe3: {  	s2 =	simm.s32 @!p1 $0x5  }
0xe4: {  	_ =	swait.ge @!p1 [sflag:s2], $0x2800  }
0xe5: {  	s29 =	sadd.s32 $0x1, s29;
	[sflag:s2] =	ssyncset.done @!p1 $0x0  }
0xe6: {  	p2 =	sne.s32 s29, s15;
	[sflag:s2] =	ssyncadd.s32 @!p1 $0xFFFFD800;
	s2 =	simm.s32 @!p0 $0x400  }
0xe7: {  	[hbm4b:s14+s0] =	stream.strided.scatter @!p0 [tilespmem:s31], [sflag:$0x5], $0x2800, s2, s0, $0x38;
	[tilespmem:$0x1F800] =	vst v63  }
.Ltmp3:
0xe8: {  	_ = 	snop;
	(pc) =	sbr.rel @p2 .LBB2_1-.Ltmp3, $4  }
0xe9: {  	s0 =	simm.s32 @!p0 $0x5  }
0xea: {  	_ =	swait.ge @!p0 [sflag:s0], $0x2800  }
0xeb: {  	[sflag:s0] =	ssyncset.done @!p0 $0x0  }
0xec: {  	[sflag:s0] =	ssyncadd.s32 @!p0 $0xFFFFD800  }
0xed: {  	_ =	sfence.sel $0x180000  }
0xee: {  	[bflag:$0x0] =	sbarrier.arrive $0xFFFF  }
0xef: {  	_ =	strace $0x90000047  }
0xf0: {  	s0 =	stileid.u32;
	[bflag:$0x2] =	sbarrier.arrive $0xFFFF  }
0xf1: {  	p0 =	sne.s32 s0, $0x0;
	s0 =	rddreg [dreg:$0x3]  }
0xf2: {  	s0 =	sadd.s32 @!p0 $0x100000, s0  }
0xf3: {  	[sflag:s0] =	ssyncadd.tile.s32 @!p0 $0x1;
	_ =	shalt  }
.Lfunc_end2:
_tile_overlayer_lowered:
.L_overlay_start_2:
0xf4: {  	(tag) =	ssettag $0x2  }
0xf5: {  	s0 =	rddreg [dreg:$0x0];
	s2 =	stileid.u32  }
0xf6: {  	s1 =	rddreg [dreg:$0x1];
	p0 =	sne.s32 s2, $0x0  }
0xf7: {  	s3 =	rddreg [dreg:$0x2];
	[bflag:$0x3] =	sbarrier.arrive $0xFFFF;
	s2 =	simm.s32 @!p0 $0x1C05  }
0xf8: {  	[timem:s3], [sflag:s2] =	dma.local @!p0 [hbm:s0], s1  }
0xf9: {  	s0 =	simm.s32 @!p0 $0x5  }
0xfa: {  	_ =	swait.ge @!p0 [sflag:s0], s1  }
0xfb: {  	s1 =	ssub.s32 @!p0 $0x0, s1;
	[sflag:s0] =	ssyncset.done @!p0 $0x0  }
0xfc: {  	[sflag:s0] =	ssyncadd.s32 @!p0 s1  }
0xfd: {  	[bflag:$0x3] =	sbarrier.arrive $0xFFFF  }
0xfe: {  	_ =	shalt  }

// kernel: kernel.9.cloned.1.call-start
scs
__scs_entry_jumppad:
0x0: {  	(pc) =	sbr.rel $0x88, $3  }
0x1: {  	(tag) =	ssettag $0x0;
	lr =	simm.s32 $0x1  }
0x2: {  	[smem:$0x3F99] =	sst lr;
	_ =	strace $0xD0000000  }
0x3: {  	_ = 	snop  }
0x4: {  	_ = 	snop  }
0x5: {  	_ = 	snop  }
0x6: {  	_ = 	snop  }
0x7: {  	_ = 	snop  }
__scs_overlays_trampoline_lowered:
0x8: {  	[smem:$0x3FA8] =	sst s0  }
0x9: {  	[smem:$0x3FA9] =	sst s1  }
0xa: {  	[smem:$0x3FAA] =	sst s2  }
0xb: {  	[smem:$0x3FAB] =	sst s3  }
0xc: {  	[smem:$0x3FAC] =	sst s4  }
0xd: {  	[smem:$0x3FAD] =	sst s5  }
0xe: {  	[smem:$0x3FAE] =	sst s6  }
0xf: {  	[smem:$0x3FAF] =	sst s7  }
0x10: {  	[smem:$0x3FB0] =	sst s8  }
0x11: {  	[smem:$0x3FB1] =	sst s9;
	s0 =	simm.s32 @!p0 $0x0  }
0x12: {  	s1 =	sld [smem:$0x3F97];
	s0 =	simm.s32 @p0 $0x1  }
0x13: {  	[smem:$0x3FB2] =	sst s0;
	s0 =	simm.s32 @!p1 $0x0  }
0x14: {  	s2 =	sld [smem:$0x3F96];
	s0 =	simm.s32 @p1 $0x1  }
0x15: {  	[smem:$0x3FB3] =	sst s0;
	s0 =	simm.s32 @!p2 $0x0  }
0x16: {  	s3 =	sld [smem:$0x3FDB];
	s0 =	simm.s32 @p2 $0x1  }
0x17: {  	s4 =	simm.s32 $0x1BF5;
	[smem:$0x3FB5] =	sst s0  }
0x18: {  	s0 =	sld [smem:$0x3F98];
	_ =	swait.ge [sflag:s4], $0x0  }
0x19: {  	s7 =	sld [smem:$0x3F99]  }
0x1a: {  	s8 =	sadd.s32 $0xFFFFE003, lr  }
0x1b: {  	s9 =	sadd.s32 $0xFFFFFEF7, lr;
	s5 =	simm.s32 $0xFFFFFFFF;
	p2 =	slt.u32 s8, $0xFFFFF086  }
0x1c: {  	p1 =	slt.u32 s9, $0xF7A;
	s5 =	simm.s32 @!p2 $0x0  }
0x1d: {  	s5 =	simm.s32 @p1 $0x1;
	p0 =	seq.s32 s7, s2  }
0x1e: {  	s7 =	smul.u32 @!p0 $0xF7A, s2;
	p2 =	seq.s32 @!p0 s5, $0x0  }
0x1f: {  	s9 =	smul.u32 $0xF7A, s1;
	s8 =	simm.s32 @!p0 $0x1BF5;
	p2 =	por !p2, p0  }
0x20: {  	[sflag:s8] =	ssyncset.s32 @!p0 $0xFFFFF086;
	s6 =	sadd.s32 @!p0 s3, s7;
	s7 =	simm.s32 @!p0 $0x108  }
0x21: {  	s3 =	sadd.s32 s3, s9;
	s6 =	sadd.s32 @!p0 $0x88, s6;
	s7 =	simm.s32 @p2 $0x1082  }
0x22: {  	[simem:s7], [sflag:s8] =	dma.local @!p0 [hbm:s6], $0xF7A  }
0x23: {  	s9 =	sor.u32 $0xD0000000, s2;
	s6 =	simm.s32 $0x108;
	_ =	swait.ge @!p0 [sflag:s8], $0x0  }
0x24: {  	s3 =	sadd.s32 $0x88, s3;
	s6 =	simm.s32 @!p1 $0x1082;
	[sflag:s4] =	ssyncset.s32 $0xFFFFF086  }
0x25: {  	[simem:s6], [sflag:s4] =	dma.local [hbm:s3], $0xF7A  }
0x26: {  	[smem:$0x3F99] =	sst s1;
	(tag) =	ssettag s2;
	_ =	strace s9  }
0x27: {  	s1 =	sld [smem:$0x3FA9]  }
0x28: {  	s2 =	sld [smem:$0x3FAA]  }
0x29: {  	s4 =	sld [smem:$0x3FAC]  }
0x2a: {  	p0 =	seq.s32 s5, $0x0;
	s5 =	sld [smem:$0x3FAD]  }
0x2b: {  	s6 =	sld [smem:$0x3FAE]  }
0x2c: {  	s7 =	sld [smem:$0x3FAF]  }
0x2d: {  	s3 =	simm.s32 $0x108;
	s8 =	sld [smem:$0x3FB0]  }
0x2e: {  	s3 =	simm.s32 @!p0 $0x1082;
	s9 =	sld [smem:$0x3FB1]  }
0x2f: {  	lr =	sadd.s32 s0, s3;
	s0 =	sld [smem:$0x3FA8]  }
0x30: {  	s3 =	sld [smem:$0x3FAB]  }
0x31: {  	[smem:$0x3FB4] =	sst s10  }
0x32: {  	s10 =	sld [smem:$0x3FB2];
	_ =	sdelay $0x3  }
0x33: {  	p0 =	seq.s32 s10, $0x1;
	s10 =	sld [smem:$0x3FB4];
	_ =	sdelay $0x3  }
0x34: {  	[smem:$0x3FB4] =	sst s10  }
0x35: {  	s10 =	sld [smem:$0x3FB3];
	_ =	sdelay $0x3  }
0x36: {  	p1 =	seq.s32 s10, $0x1;
	s10 =	sld [smem:$0x3FB4];
	_ =	sdelay $0x3  }
0x37: {  	[smem:$0x3FB4] =	sst s10  }
0x38: {  	s10 =	sld [smem:$0x3FB5]  }
0x39: {  	_ = 	snop;
	(pc) =	sbr.ind lr, $3  }
0x3a: {  	_ = 	snop  }
0x3b: {  	_ = 	snop  }
0x3c: {  	p2 =	seq.s32 s10, $0x1;
	s10 =	sld [smem:$0x3FB4]  }
0x3d: {  	_ =	shalt  }
0x3e: {  	_ =	shalt  }
0x3f: {  	_ =	shalt  }
0x40: {  	_ =	shalt  }
0x41: {  	_ =	shalt  }
0x42: {  	_ =	shalt  }
0x43: {  	_ =	shalt  }
0x44: {  	_ =	shalt  }
0x45: {  	_ =	shalt  }
0x46: {  	_ =	shalt  }
0x47: {  	_ =	shalt  }
0x48: {  	_ =	shalt  }
0x49: {  	_ =	shalt  }
0x4a: {  	_ =	shalt  }
0x4b: {  	_ =	shalt  }
0x4c: {  	_ =	shalt  }
0x4d: {  	_ =	shalt  }
0x4e: {  	_ =	shalt  }
0x4f: {  	_ =	shalt  }
0x50: {  	_ =	shalt  }
0x51: {  	_ =	shalt  }
0x52: {  	_ =	shalt  }
0x53: {  	_ =	shalt  }
0x54: {  	_ =	shalt  }
0x55: {  	_ =	shalt  }
0x56: {  	_ =	shalt  }
0x57: {  	_ =	shalt  }
0x58: {  	_ =	shalt  }
0x59: {  	_ =	shalt  }
0x5a: {  	_ =	shalt  }
0x5b: {  	_ =	shalt  }
0x5c: {  	_ =	shalt  }
0x5d: {  	_ =	shalt  }
0x5e: {  	_ =	shalt  }
0x5f: {  	_ =	shalt  }
0x60: {  	_ =	shalt  }
0x61: {  	_ =	shalt  }
0x62: {  	_ =	shalt  }
0x63: {  	_ =	shalt  }
0x64: {  	_ =	shalt  }
0x65: {  	_ =	shalt  }
0x66: {  	_ =	shalt  }
0x67: {  	_ =	shalt  }
0x68: {  	_ =	shalt  }
0x69: {  	_ =	shalt  }
0x6a: {  	_ =	shalt  }
0x6b: {  	_ =	shalt  }
0x6c: {  	_ =	shalt  }
0x6d: {  	_ =	shalt  }
0x6e: {  	_ =	shalt  }
0x6f: {  	_ =	shalt  }
0x70: {  	_ =	shalt  }
0x71: {  	_ =	shalt  }
0x72: {  	_ =	shalt  }
0x73: {  	_ =	shalt  }
0x74: {  	_ =	shalt  }
0x75: {  	_ =	shalt  }
0x76: {  	_ =	shalt  }
0x77: {  	_ =	shalt  }
0x78: {  	_ =	shalt  }
0x79: {  	_ =	shalt  }
0x7a: {  	_ =	shalt  }
0x7b: {  	_ =	shalt  }
0x7c: {  	_ =	shalt  }
0x7d: {  	_ =	shalt  }
0x7e: {  	_ =	shalt  }
0x7f: {  	_ =	shalt  }
0x80: {  	_ =	shalt  }
0x81: {  	_ =	shalt  }
0x82: {  	_ =	shalt  }
0x83: {  	_ =	shalt  }
0x84: {  	_ =	shalt  }
0x85: {  	_ =	shalt  }
0x86: {  	_ =	shalt  }
0x87: {  	_ =	shalt  }
.Lfunc_end0:
.L_simem_size_0:
called_computation.1_lowered:
.L_overlay_start_0:
0x88: {  	s2 =	sld [smem:$0x3FD9]  }
0x89: {  	s3 =	sld [smem:$0x3FFE];
	_ =	sdelay $0x1  }
0x8a: {  	s1 =	srdreg.scid  }
0x8b: {  	s0 =	sand.u32 $0x1, s1  }
0x8c: {  	s17 =	sshll.u32 s0, $0xA;
	s2 =	sadd.s32 s3, s2  }
0x8d: {  	s2 =	sadd.s32 s2, s17  }
0x8e: {  	[smem:$0x3FC0] =	sst s2  }
0x8f: {  	_ = 	snop  }
0x90: {  	s2 =	sld [smem:$0x3FD0];
	(tm) =	ssettm $0x1  }
0x91: {  	s18 =	sld [smem:$0x3FFB];
	_ =	sdelay $0x3  }
0x92: {  	_ =	strace s18  }
0x93: {  	s3 =	sld [smem:$0x3FFC];
	_ =	sdelay $0x3  }
0x94: {  	_ =	strace s3  }
0x95: {  	s3 =	sld [smem:$0x3FFD];
	_ =	sdelay $0x3  }
0x96: {  	_ =	strace s3  }
0x97: {  	_ =	strace $0x8FFFFFFF  }
0x98: {  	s19 =	sld [smem:$0x3FDB];
	_ =	sdelay $0x1  }
0x99: {  	s4 =	simm.s32 $_scs_section_size  }
0x9a: {  	s5 =	simm.s32 $_size__tile_overlayer_lowered;
	s6 =	simm.s32 $_tile_overlayer_lowered  }
0x9b: {  	s22 =	simm.s32 $0x1BFF;
	s21 =	sshll.u32 s6, $0x1;
	s3 =	sadd.s32 s4, s19  }
0x9c: {  	s7 =	simm.s32 $0x0;
	s20 =	sshll.u32 s5, $0x1;
	s5 =	sadd.s32 s21, s3  }
0x9d: {  	[timem:s7], [sflag:s22] =	dma.local [hbm:s5], s20  }
0x9e: {  	_ =	swait.ge [sflag:s22], s20  }
0x9f: {  	s4 =	ssub.s32 $0x0, s20;
	[sflag:s22] =	ssyncset.done $0x0  }
0xa0: {  	[sflag:s22] =	ssyncadd.s32 s4;
	_ =	sdelay $0x1  }
0xa1: {  	s23 =	simm.s32 $0x1B8B  }
0xa2: {  	_ =	swait.ge [sflag:s23], $0x1  }
0xa3: {  	[sflag:s23] =	ssyncset.done $0x0  }
0xa4: {  	s25 =	simm.s32 $0x1B8E;
	s24 =	sld [smem:$0x3FFE];
	[sflag:s23] =	ssyncadd.s32 $0xFFFFFFFF  }
0xa5: {  	s26 =	simm.s32 $execute0_lowered;
	[smem:$0x3FD2] =	sst s25  }
0xa6: {  	s5 =	sshll.u32 s26, $0x1;
	_ =	strace $0x80000049;
	[dreg:$0x1] =	wrdreg $0xFFFFFFFF  }
0xa7: {  	s28 =	simm.s32 $_size_execute0_lowered;
	s3 =	sadd.s32 s3, s5;
	[dreg:$0x0] =	wrdreg $0x0  }
0xa8: {  	s5 =	sshll.u32 s28, $0x1;
	[dreg:$0x2] =	wrdreg s3  }
0xa9: {  	[dreg:$0x3] =	wrdreg s5  }
0xaa: {  	[dreg:$0x4] =	wrdreg $0xC0  }
0xab: {  	_ =	task [dreg:s7], $0x5FFFF  }
0xac: {  	[dreg:$0x1] =	wrdreg $0xFFFFFFFF  }
0xad: {  	[dreg:$0x0] =	wrdreg $0x60  }
0xae: {  	[dreg:$0x2] =	wrdreg s24  }
0xaf: {  	[dreg:$0x3] =	wrdreg s2  }
0xb0: {  	[dreg:$0x4] =	wrdreg $0x90000  }
0xb1: {  	[dreg:$0x5] =	wrdreg $0x9  }
0xb2: {  	_ =	task.clear_ibuf [dreg:s7], $0x6FFFF;
	_ =	strace $0x90000049  }
0xb3: {  	s29 =	simm.s32 $0x9;
	_ =	strace $0x8000004B  }
0xb4: {  	_ =	swait.ge [sflag:s29], $0x1  }
0xb5: {  	[sflag:s29] =	ssyncadd.s32 $0xFFFFFFFF  }
0xb6: {  	_ =	strace $0x9000004B  }
0xb7: {  	_ =	sfence  }
0xb8: {  	s30 =	sld [smem:$0x0];
	_ =	sdelay $0x2  }
0xb9: {  	s31 =	sshll.u32 s1, $0xD;
	s1 =	sshrl.u32 s1, $0x2  }
0xba: {  	s3 =	sand.u32 $0x4000, s31;
	s1 =	sadd.s32 s1, s30  }
0xbb: {  	s0 =	sor.u32 s3, s0;
	s1 =	sshll.u32 s1, $0x11  }
0xbc: {  	s0 =	sor.u32 s1, s0  }
0xbd: {  	s0 =	sadd.s32 $0x8F2B, s0  }
0xbe: {  	[sflag:s0] =	ssyncadd.remote.s32 $0x1  }
0xbf: {  	_ =	sfence.sel $0xFFFF  }
0xc0: {  	[dreg:$0x0] =	wrdreg $0xFFFFFFFF;
	(pc) =	sbr.abs _section_cstart, $3  }
0xc1: {  	[dreg:$0x1] =	wrdreg $0xFFFFFFFF  }
0xc2: {  	_ =	task.clear_ibuf [dreg:s7], $0x2FFFF;
	_ =	strace $0x9FFFFFFF  }
0xc3: {  	(tm) =	ssettm $0x7FFFFFFF  }
tec
execute0_lowered:
.L_overlay_start_1:
0x0: {  	(tag) =	ssettag $0x1  }
0x1: {  	s1 =	rddreg [dreg:$0x0]  }
0x2: {  	s0 =	srdreg.scid;
	s8 =	rddreg [dreg:$0x1]  }
0x3: {  	s26 =	stileid.u32;
	s2 =	rddreg [dreg:$0x2];
	s3 =	simm.s32 $0x0  }
0x4: {  	s12 =	simm.s32 $0x180;
	s13 =	simm.s32 $0x900;
	s14 =	simm.s32 $0x200  }
0x5: {  	s15 =	simm.s32 $0x980;
	s17 =	simm.s32 $0x280;
	s18 =	simm.s32 $0xA00  }
0x6: {  	s19 =	simm.s32 $0x300;
	s20 =	simm.s32 $0xA80;
	s28 =	simm.s32 $0xD80  }
0x7: {  	s29 =	simm.s32 $0x680;
	s30 =	simm.s32 $0xE00;
	s31 =	simm.s32 $0x700  }
0x8: {  	s0 =	sand.u32 $0x1, s0;
	s5 =	smul.u32 $0x2800, s26;
	[smem:$0x7FF] =	sst s3  }
0x9: {  	s6 =	smul.u32 $0x500, s26;
	_ =	strace $0x8000004A;
	[dreg:$0x8] =	wrdreg s12  }
0xa: {  	s11 =	smul.u32 $0x50000, s26;
	s24 =	sshll.u32 s26, $0x6;
	[dreg:$0x9] =	wrdreg s13  }
0xb: {  	p0 =	seq.s32 s26, $0xF;
	s4 =	smul.u32 $0x28000, s0;
	[dreg:$0xa] =	wrdreg s14  }
0xc: {  	s26 =	simm.s32 $0x600;
	s25 =	smul.u32 $0x27100, s0;
	[dreg:$0xb] =	wrdreg s15  }
0xd: {  	s7 =	ssub.s32 $0x2, s0;
	s0 =	smul.u32 $0x138800, s0;
	[dreg:$0xc] =	wrdreg s17  }
0xe: {  	s12 =	simm.s32 $0x5;
	s13 =	simm.s32 $0x800;
	[dreg:$0xd] =	wrdreg s18  }
0xf: {  	s14 =	simm.s32 $0x80;
	[dreg:$0xe] =	wrdreg s19;
	s15 =	simm.s32 $0x1000  }
0x10: {  	[dreg:$0xf] =	wrdreg s20;
	s17 =	simm.s32 $0x5000;
	s18 =	simm.s32 $0x2  }
0x11: {  	s19 =	simm.s32 $0x3;
	s20 =	simm.s32 $0x4;
	s10 =	sadd.s32 s6, s1  }
0x12: {  	s21 =	sshrl.u32 s7, $0x1;
	s23 =	sshrl.u32 s11, $0x2;
	s11 =	simm.s32 $0x880  }
0x13: {  	s4 =	sadd.s32 s5, s4;
	s22 =	ssub.s32 s7, s21;
	s6 =	sadd.s32 s23, s2  }
0x14: {  	s7 =	sor.u32 $0x1C05, s24;
	s10 =	sadd.s32 $0xB600, s10;
	[dreg:$0x7] =	wrdreg s11  }
0x15: {  	s5 =	sadd.s32 s5, s25;
	s0 =	sshrl.u32 s0, $0x3;
	[dreg:$0x4] =	wrdreg s10  }
0x16: {  	s21 =	simm.s32 $0x380;
	s23 =	simm.s32 $0x400;
	[dreg:$0x16] =	wrdreg s6  }
0x17: {  	s24 =	simm.s32 $0xB80;
	s25 =	simm.s32 $0x480;
	[dreg:$0x10] =	wrdreg s21  }
0x18: {  	s4 =	sshrl.u32 s4, $0x3;
	s10 =	simm.s32 $0x100;
	[dreg:$0x12] =	wrdreg s23  }
0x19: {  	s5 =	sadd.s32 s8, s5;
	s0 =	sadd.s32 s8, s0;
	[dreg:$0x13] =	wrdreg s24  }
0x1a: {  	s16 =	sshrl.u32 s6, $0x3;
	[dreg:$0x14] =	wrdreg s25;
	s21 =	simm.s32 $0xC00  }
0x1b: {  	s23 =	simm.s32 $0xC80;
	s24 =	simm.s32 $0x580;
	[dreg:$0x18] =	wrdreg s5  }
0x1c: {  	s25 =	simm.s32 $0xD00;
	s9 =	sadd.s32 s4, s1;
	[dreg:$0x6] =	wrdreg s10  }
0x1d: {  	s4 =	sadd.s32 $0x12E00, s1;
	s1 =	sadd.s32 $0x10600, s1;
	[dreg:$0x1b] =	wrdreg s16  }
0x1e: {  	s8 =	simm.s32 $0xF80;
	s0 =	sadd.s32 $0x25800, s0;
	[dreg:$0x15] =	wrdreg s1  }
0x1f: {  	s16 =	simm.s32 $0x1;
	s9 =	sadd.s32 $0x1600, s9;
	[dreg:$0x19] =	wrdreg s0  }
0x20: {  	s5 =	simm.s32 $0xF00;
	s1 =	smax.u32 s22, $0x1;
	[dreg:$0x5] =	wrdreg s9  }
0x21: {  	s10 =	simm.s32 $0x0;
	s22 =	simm.s32 $0xB00;
	[dreg:$0x1a] =	wrdreg s1  }
0x22: {  	s0 =	simm.s32 $0x780;
	s9 =	smov.u32 s7;
	[dreg:$0x11] =	wrdreg s22  }
0x23: {  	s22 =	simm.s32 $0x500;
	s1 =	simm.s32 $0xE80;
	[dreg:$0x17] =	wrdreg s9  }
.LBB2_1:
0x24: {  	[dreg:$0x1c] =	wrdreg s10  }
0x25: {  	s6 =	rddreg [dreg:$0x15]  }
0x26: {  	s7 =	rddreg [dreg:$0x1b]  }
0x27: {  	[spmem:s7], [sflag:s9] =	dma.local [hbm:s6], $0x2800  }
0x28: {  	_ =	swait.ge [sflag:s12], $0x2800  }
0x29: {  	[sflag:s12] =	ssyncset.done $0x0  }
0x2a: {  	p1 =	por $0x1, $0x1;
	[sflag:s12] =	ssyncadd.s32 $0xFFFFD800  }
0x2b: {  	s10 =	simm.s32 @!p1 $0x4;
	[bflag:$0x0] =	sbarrier.arrive $0xFFFF  }
0x2c: {  	_ =	swait.ge @!p1 [sflag:s10], $0x4000  }
0x2d: {  	s11 =	rddreg [dreg:$0x5];
	[sflag:s10] =	ssyncset.done @!p1 $0x0  }
0x2e: {  	[sflag:s10] =	ssyncadd.s32 @!p1 $0xFFFFC000;
	s11 =	sadd.s32 $0x0, s11  }
0x2f: {  	[tilespmem:s3], [sflag:$0x5] =	stream.linear.gather [hbm4b:s11+s3], $0x800, $0x38;
	[tilespmem:$0x1D000] =	vst v63  }
0x30: {  	_ =	swait.ge [sflag:s12], $0x800  }
0x31: {  	s6 =	rddreg [dreg:$0x4];
	[sflag:s12] =	ssyncset.done $0x0  }
0x32: {  	[sflag:s12] =	ssyncadd.s32 $0xFFFFF800;
	s10 =	sadd.s32 $0x0, s6  }
0x33: {  	[tilespmem:s13], [sflag:$0x5] =	stream.linear.gather [hbm4b:s10+s3], $0x800, $0x38;
	[tilespmem:$0x1D000] =	vst v63  }
0x34: {  	_ =	swait.ge [sflag:s12], $0x800  }
0x35: {  	[sflag:s12] =	ssyncset.done $0x0  }
0x36: {  	[sflag:s12] =	ssyncadd.s32 $0xFFFFF800  }
0x37: {  	[tilespmem:s15], [sflag:$0x1] =	stream.indirect.gather [hbm4b:s4+s14], $0x80, s3, s14, $0xb8;
	[tilespmem:$0x1D000] =	vst v63  }
0x38: {  	_ =	swait.ge [sflag:s16], $0x4000  }
0x39: {  	[sflag:s16] =	ssyncset.done $0x0  }
0x3a: {  	[sflag:s16] =	ssyncadd.s32 $0xFFFFC000  }
0x3b: {  	[tilespmem:s17], [sflag:$0x2] =	stream.indirect.gather [hbm4b:s4+s14], $0x80, s14, s14, $0xb8;
	[tilespmem:$0x1D000] =	vst v63  }
0x3c: {  	_ = 	snop  }
0x3d: {  	[spmem:s2] =	stream.indirect.scatter.add.f32 [tilespmem:s15], [sflag:$0x3], $0x80, s13, s14, $0xb8;
	[tilespmem:$0x1D000] =	vst v63  }
0x3e: {  	_ =	swait.ge [sflag:s18], $0x4000  }
0x3f: {  	[sflag:s18] =	ssyncset.done $0x0  }
0x40: {  	[sflag:s18] =	ssyncadd.s32 $0xFFFFC000  }
0x41: {  	_ =	swait.ge [sflag:s19], $0x4000  }
0x42: {  	[sflag:s19] =	ssyncset.done $0x0  }
0x43: {  	s7 =	rddreg [dreg:$0x6];
	[sflag:s19] =	ssyncadd.s32 $0xFFFFC000  }
0x44: {  	[tilespmem:s15], [sflag:$0x1] =	stream.indirect.gather [hbm4b:s4+s14], $0x80, s7, s14, $0xb8;
	[tilespmem:$0x1D000] =	vst v63  }
0x45: {  	s9 =	rddreg [dreg:$0x7]  }
0x46: {  	[spmem:s2] =	stream.indirect.scatter.add.f32 [tilespmem:s17], [sflag:$0x4], $0x80, s9, s14, $0xb8;
	[tilespmem:$0x1D000] =	vst v63  }
0x47: {  	_ =	swait.ge [sflag:s16], $0x4000  }
0x48: {  	[sflag:s16] =	ssyncset.done $0x0  }
0x49: {  	[sflag:s16] =	ssyncadd.s32 $0xFFFFC000  }
0x4a: {  	_ =	swait.ge [sflag:s20], $0x4000  }
0x4b: {  	[sflag:s20] =	ssyncset.done $0x0  }
0x4c: {  	s11 =	rddreg [dreg:$0x8];
	[sflag:s20] =	ssyncadd.s32 $0xFFFFC000  }
0x4d: {  	[tilespmem:s17], [sflag:$0x2] =	stream.indirect.gather [hbm4b:s4+s14], $0x80, s11, s14, $0xb8;
	[tilespmem:$0x1D000] =	vst v63  }
0x4e: {  	s6 =	rddreg [dreg:$0x9]  }
0x4f: {  	[spmem:s2] =	stream.indirect.scatter.add.f32 [tilespmem:s15], [sflag:$0x3], $0x80, s6, s14, $0xb8;
	[tilespmem:$0x1D000] =	vst v63  }
0x50: {  	_ =	swait.ge [sflag:s18], $0x4000  }
0x51: {  	[sflag:s18] =	ssyncset.done $0x0  }
0x52: {  	[sflag:s18] =	ssyncadd.s32 $0xFFFFC000  }
0x53: {  	_ =	swait.ge [sflag:s19], $0x4000  }
0x54: {  	[sflag:s19] =	ssyncset.done $0x0  }
0x55: {  	s7 =	rddreg [dreg:$0xa];
	[sflag:s19] =	ssyncadd.s32 $0xFFFFC000  }
0x56: {  	[tilespmem:s15], [sflag:$0x1] =	stream.indirect.gather [hbm4b:s4+s14], $0x80, s7, s14, $0xb8;
	[tilespmem:$0x1D000] =	vst v63  }
0x57: {  	s9 =	rddreg [dreg:$0xb]  }
0x58: {  	[spmem:s2] =	stream.indirect.scatter.add.f32 [tilespmem:s17], [sflag:$0x4], $0x80, s9, s14, $0xb8;
	[tilespmem:$0x1D000] =	vst v63  }
0x59: {  	_ =	swait.ge [sflag:s16], $0x4000  }
0x5a: {  	[sflag:s16] =	ssyncset.done $0x0  }
0x5b: {  	[sflag:s16] =	ssyncadd.s32 $0xFFFFC000  }
0x5c: {  	_ =	swait.ge [sflag:s20], $0x4000  }
0x5d: {  	[sflag:s20] =	ssyncset.done $0x0  }
0x5e: {  	s11 =	rddreg [dreg:$0xc];
	[sflag:s20] =	ssyncadd.s32 $0xFFFFC000  }
0x5f: {  	[tilespmem:s17], [sflag:$0x2] =	stream.indirect.gather [hbm4b:s4+s14], $0x80, s11, s14, $0xb8;
	[tilespmem:$0x1D000] =	vst v63  }
0x60: {  	s6 =	rddreg [dreg:$0xd]  }
0x61: {  	[spmem:s2] =	stream.indirect.scatter.add.f32 [tilespmem:s15], [sflag:$0x3], $0x80, s6, s14, $0xb8;
	[tilespmem:$0x1D000] =	vst v63  }
0x62: {  	_ =	swait.ge [sflag:s18], $0x4000  }
0x63: {  	[sflag:s18] =	ssyncset.done $0x0  }
0x64: {  	[sflag:s18] =	ssyncadd.s32 $0xFFFFC000  }
0x65: {  	_ =	swait.ge [sflag:s19], $0x4000  }
0x66: {  	[sflag:s19] =	ssyncset.done $0x0  }
0x67: {  	s7 =	rddreg [dreg:$0xe];
	[sflag:s19] =	ssyncadd.s32 $0xFFFFC000  }
0x68: {  	[tilespmem:s15], [sflag:$0x1] =	stream.indirect.gather [hbm4b:s4+s14], $0x80, s7, s14, $0xb8;
	[tilespmem:$0x1D000] =	vst v63  }
0x69: {  	s9 =	rddreg [dreg:$0xf]  }
0x6a: {  	[spmem:s2] =	stream.indirect.scatter.add.f32 [tilespmem:s17], [sflag:$0x4], $0x80, s9, s14, $0xb8;
	[tilespmem:$0x1D000] =	vst v63  }
0x6b: {  	_ =	swait.ge [sflag:s16], $0x4000  }
0x6c: {  	[sflag:s16] =	ssyncset.done $0x0  }
0x6d: {  	[sflag:s16] =	ssyncadd.s32 $0xFFFFC000  }
0x6e: {  	_ =	swait.ge [sflag:s20], $0x4000  }
0x6f: {  	[sflag:s20] =	ssyncset.done $0x0  }
0x70: {  	s11 =	rddreg [dreg:$0x10];
	[sflag:s20] =	ssyncadd.s32 $0xFFFFC000  }
0x71: {  	[tilespmem:s17], [sflag:$0x2] =	stream.indirect.gather [hbm4b:s4+s14], $0x80, s11, s14, $0xb8;
	[tilespmem:$0x1D000] =	vst v63  }
0x72: {  	s6 =	rddreg [dreg:$0x11]  }
0x73: {  	[spmem:s2] =	stream.indirect.scatter.add.f32 [tilespmem:s15], [sflag:$0x3], $0x80, s6, s14, $0xb8;
	[tilespmem:$0x1D000] =	vst v63  }
0x74: {  	_ =	swait.ge [sflag:s18], $0x4000  }
0x75: {  	[sflag:s18] =	ssyncset.done $0x0  }
0x76: {  	[sflag:s18] =	ssyncadd.s32 $0xFFFFC000  }
0x77: {  	_ =	swait.ge [sflag:s19], $0x4000  }
0x78: {  	[sflag:s19] =	ssyncset.done $0x0  }
0x79: {  	s7 =	rddreg [dreg:$0x12];
	[sflag:s19] =	ssyncadd.s32 $0xFFFFC000  }
0x7a: {  	[tilespmem:s15], [sflag:$0x1] =	stream.indirect.gather [hbm4b:s4+s14], $0x80, s7, s14, $0xb8;
	[tilespmem:$0x1D000] =	vst v63  }
0x7b: {  	s9 =	rddreg [dreg:$0x13]  }
0x7c: {  	[spmem:s2] =	stream.indirect.scatter.add.f32 [tilespmem:s17], [sflag:$0x4], $0x80, s9, s14, $0xb8;
	[tilespmem:$0x1D000] =	vst v63  }
0x7d: {  	_ =	swait.ge [sflag:s16], $0x4000  }
0x7e: {  	[sflag:s16] =	ssyncset.done $0x0  }
0x7f: {  	[sflag:s16] =	ssyncadd.s32 $0xFFFFC000  }
0x80: {  	_ =	swait.ge [sflag:s20], $0x4000  }
0x81: {  	[sflag:s20] =	ssyncset.done $0x0  }
0x82: {  	s11 =	rddreg [dreg:$0x14];
	[sflag:s20] =	ssyncadd.s32 $0xFFFFC000  }
0x83: {  	[tilespmem:s17], [sflag:$0x2] =	stream.indirect.gather [hbm4b:s4+s14], $0x80, s11, s14, $0xb8;
	[tilespmem:$0x1D000] =	vst v63  }
0x84: {  	_ = 	snop  }
0x85: {  	[spmem:s2] =	stream.indirect.scatter.add.f32 [tilespmem:s15], [sflag:$0x3], $0x80, s21, s14, $0xb8;
	[tilespmem:$0x1D000] =	vst v63  }
0x86: {  	_ =	swait.ge [sflag:s18], $0x4000  }
0x87: {  	[sflag:s18] =	ssyncset.done $0x0  }
0x88: {  	[sflag:s18] =	ssyncadd.s32 $0xFFFFC000  }
0x89: {  	_ =	swait.ge [sflag:s19], $0x4000  }
0x8a: {  	[sflag:s19] =	ssyncset.done $0x0  }
0x8b: {  	[sflag:s19] =	ssyncadd.s32 $0xFFFFC000  }
0x8c: {  	[tilespmem:s15], [sflag:$0x1] =	stream.indirect.gather [hbm4b:s4+s14], $0x80, s22, s14, $0xb8;
	[tilespmem:$0x1D000] =	vst v63  }
0x8d: {  	_ = 	snop  }
0x8e: {  	[spmem:s2] =	stream.indirect.scatter.add.f32 [tilespmem:s17], [sflag:$0x4], $0x80, s23, s14, $0xb8;
	[tilespmem:$0x1D000] =	vst v63  }
0x8f: {  	_ =	swait.ge [sflag:s16], $0x4000  }
0x90: {  	[sflag:s16] =	ssyncset.done $0x0  }
0x91: {  	[sflag:s16] =	ssyncadd.s32 $0xFFFFC000  }
0x92: {  	_ =	swait.ge [sflag:s20], $0x4000  }
0x93: {  	[sflag:s20] =	ssyncset.done $0x0  }
0x94: {  	[sflag:s20] =	ssyncadd.s32 $0xFFFFC000  }
0x95: {  	[tilespmem:s17], [sflag:$0x2] =	stream.indirect.gather [hbm4b:s4+s14], $0x80, s24, s14, $0xb8;
	[tilespmem:$0x1D000] =	vst v63  }
0x96: {  	_ = 	snop  }
0x97: {  	[spmem:s2] =	stream.indirect.scatter.add.f32 [tilespmem:s15], [sflag:$0x3], $0x80, s25, s14, $0xb8;
	[tilespmem:$0x1D000] =	vst v63  }
0x98: {  	_ =	swait.ge [sflag:s18], $0x4000  }
0x99: {  	[sflag:s18] =	ssyncset.done $0x0  }
0x9a: {  	[sflag:s18] =	ssyncadd.s32 $0xFFFFC000  }
0x9b: {  	_ =	swait.ge [sflag:s19], $0x4000  }
0x9c: {  	[sflag:s19] =	ssyncset.done $0x0  }
0x9d: {  	[sflag:s19] =	ssyncadd.s32 $0xFFFFC000  }
0x9e: {  	[tilespmem:s15], [sflag:$0x1] =	stream.indirect.gather [hbm4b:s4+s14], $0x80, s26, s14, $0xb8;
	[tilespmem:$0x1D000] =	vst v63  }
0x9f: {  	_ = 	snop  }
0xa0: {  	[spmem:s2] =	stream.indirect.scatter.add.f32 [tilespmem:s17], [sflag:$0x4], $0x80, s28, s14, $0xb8;
	[tilespmem:$0x1D000] =	vst v63  }
0xa1: {  	_ =	swait.ge [sflag:s16], $0x4000  }
0xa2: {  	[sflag:s16] =	ssyncset.done $0x0  }
0xa3: {  	[sflag:s16] =	ssyncadd.s32 $0xFFFFC000  }
0xa4: {  	_ =	swait.ge [sflag:s20], $0x4000  }
0xa5: {  	[sflag:s20] =	ssyncset.done $0x0  }
0xa6: {  	[sflag:s20] =	ssyncadd.s32 $0xFFFFC000  }
0xa7: {  	[tilespmem:s17], [sflag:$0x2] =	stream.indirect.gather [hbm4b:s4+s14], $0x80, s29, s14, $0xb8;
	[tilespmem:$0x1D000] =	vst v63  }
0xa8: {  	_ = 	snop  }
0xa9: {  	[spmem:s2] =	stream.indirect.scatter.add.f32 [tilespmem:s15], [sflag:$0x3], $0x80, s30, s14, $0xb8;
	[tilespmem:$0x1D000] =	vst v63  }
0xaa: {  	_ =	swait.ge [sflag:s18], $0x4000  }
0xab: {  	[sflag:s18] =	ssyncset.done $0x0  }
0xac: {  	[sflag:s18] =	ssyncadd.s32 $0xFFFFC000  }
0xad: {  	_ =	swait.ge [sflag:s19], $0x4000  }
0xae: {  	[sflag:s19] =	ssyncset.done $0x0  }
0xaf: {  	[sflag:s19] =	ssyncadd.s32 $0xFFFFC000  }
0xb0: {  	[tilespmem:s15], [sflag:$0x1] =	stream.indirect.gather [hbm4b:s4+s14], $0x80, s31, s14, $0xb8;
	[tilespmem:$0x1D000] =	vst v63  }
0xb1: {  	_ = 	snop  }
0xb2: {  	[spmem:s2] =	stream.indirect.scatter.add.f32 [tilespmem:s17], [sflag:$0x4], $0x80, s1, s14, $0xb8;
	[tilespmem:$0x1D000] =	vst v63  }
0xb3: {  	_ =	swait.ge [sflag:s16], $0x4000  }
0xb4: {  	[sflag:s16] =	ssyncset.done $0x0  }
0xb5: {  	[sflag:s16] =	ssyncadd.s32 $0xFFFFC000  }
0xb6: {  	_ =	swait.ge [sflag:s20], $0x4000  }
0xb7: {  	[sflag:s20] =	ssyncset.done $0x0  }
0xb8: {  	[sflag:s20] =	ssyncadd.s32 $0xFFFFC000  }
0xb9: {  	[tilespmem:s17], [sflag:$0x2] =	stream.indirect.gather [hbm4b:s4+s14], $0x80, s0, s14, $0xb8;
	[tilespmem:$0x1D000] =	vst v63  }
0xba: {  	_ = 	snop  }
0xbb: {  	[spmem:s2] =	stream.indirect.scatter.add.f32 [tilespmem:s15], [sflag:$0x3], $0x80, s5, s14, $0xb8;
	[tilespmem:$0x1D000] =	vst v63  }
0xbc: {  	_ =	swait.ge [sflag:s18], $0x4000  }
0xbd: {  	[sflag:s18] =	ssyncset.done $0x0  }
0xbe: {  	[sflag:s18] =	ssyncadd.s32 $0xFFFFC000  }
0xbf: {  	p2 =	por $0x0, $0x0;
	_ =	swait.ge [sflag:s19], $0x4000  }
0xc0: {  	s10 =	simm.s32 $0x100;
	s11 =	simm.s32 $0x200;
	[sflag:s19] =	ssyncset.done $0x0  }
.LBB2_2:
0xc1: {  	s6 =	simm.s32 @!p2 $0x4;
	[sflag:s19] =	ssyncadd.s32 $0xFFFFC000  }
0xc2: {  	[spmem:s2] =	stream.indirect.scatter.add.f32 [tilespmem:s17], [sflag:$0x4], $0x80, s8, s14, $0xb8;
	[tilespmem:$0x1D000] =	vst v63  }
0xc3: {  	_ =	swait.ge @!p2 [sflag:s6], $0x4000  }
0xc4: {  	[sflag:s6] =	ssyncset.done @!p2 $0x0;
	s9 =	rddreg [dreg:$0x5]  }
0xc5: {  	[sflag:s6] =	ssyncadd.s32 @!p2 $0xFFFFC000;
	s9 =	sadd.s32 s10, s9  }
0xc6: {  	[tilespmem:s3], [sflag:$0x5] =	stream.linear.gather [hbm4b:s9+s3], $0x800, $0x38;
	[tilespmem:$0x1D000] =	vst v63  }
0xc7: {  	_ =	swait.ge [sflag:s12], $0x800  }
0xc8: {  	s9 =	rddreg [dreg:$0x4];
	[sflag:s12] =	ssyncset.done $0x0  }
0xc9: {  	[sflag:s12] =	ssyncadd.s32 $0xFFFFF800;
	s6 =	sadd.s32 s10, s9  }
0xca: {  	[tilespmem:s13], [sflag:$0x5] =	stream.linear.gather [hbm4b:s6+s3], $0x800, $0x38;
	[tilespmem:$0x1D000] =	vst v63  }
0xcb: {  	_ =	swait.ge [sflag:s12], $0x800  }
0xcc: {  	[sflag:s12] =	ssyncset.done $0x0  }
0xcd: {  	[sflag:s12] =	ssyncadd.s32 $0xFFFFF800  }
0xce: {  	[tilespmem:s15], [sflag:$0x1] =	stream.indirect.gather [hbm4b:s4+s14], $0x80, s3, s14, $0xb8;
	[tilespmem:$0x1D000] =	vst v63  }
0xcf: {  	_ =	swait.ge [sflag:s16], $0x4000  }
0xd0: {  	[sflag:s16] =	ssyncset.done $0x0  }
0xd1: {  	[sflag:s16] =	ssyncadd.s32 $0xFFFFC000  }
0xd2: {  	[tilespmem:s17], [sflag:$0x2] =	stream.indirect.gather [hbm4b:s4+s14], $0x80, s14, s14, $0xb8;
	[tilespmem:$0x1D000] =	vst v63  }
0xd3: {  	_ = 	snop  }
0xd4: {  	[spmem:s2] =	stream.indirect.scatter.add.f32 [tilespmem:s15], [sflag:$0x3], $0x80, s13, s14, $0xb8;
	[tilespmem:$0x1D000] =	vst v63  }
0xd5: {  	_ =	swait.ge [sflag:s18], $0x4000  }
0xd6: {  	[sflag:s18] =	ssyncset.done $0x0  }
0xd7: {  	[sflag:s18] =	ssyncadd.s32 $0xFFFFC000  }
0xd8: {  	_ =	swait.ge [sflag:s19], $0x4000  }
0xd9: {  	s7 =	smov.u32 s11;
	[sflag:s19] =	ssyncset.done $0x0  }
0xda: {  	s10 =	smov.u32 s7;
	s7 =	rddreg [dreg:$0x6];
	[sflag:s19] =	ssyncadd.s32 $0xFFFFC000  }
0xdb: {  	[tilespmem:s15], [sflag:$0x1] =	stream.indirect.gather [hbm4b:s4+s14], $0x80, s7, s14, $0xb8;
	[tilespmem:$0x1D000] =	vst v63  }
0xdc: {  	s9 =	rddreg [dreg:$0x7]  }
0xdd: {  	[spmem:s2] =	stream.indirect.scatter.add.f32 [tilespmem:s17], [sflag:$0x4], $0x80, s9, s14, $0xb8;
	[tilespmem:$0x1D000] =	vst v63  }
0xde: {  	_ =	swait.ge [sflag:s16], $0x4000  }
0xdf: {  	[sflag:s16] =	ssyncset.done $0x0  }
0xe0: {  	[sflag:s16] =	ssyncadd.s32 $0xFFFFC000  }
0xe1: {  	_ =	swait.ge [sflag:s20], $0x4000  }
0xe2: {  	[sflag:s20] =	ssyncset.done $0x0  }
0xe3: {  	s7 =	rddreg [dreg:$0x8];
	[sflag:s20] =	ssyncadd.s32 $0xFFFFC000  }
0xe4: {  	[tilespmem:s17], [sflag:$0x2] =	stream.indirect.gather [hbm4b:s4+s14], $0x80, s7, s14, $0xb8;
	[tilespmem:$0x1D000] =	vst v63  }
0xe5: {  	s9 =	rddreg [dreg:$0x9]  }
0xe6: {  	[spmem:s2] =	stream.indirect.scatter.add.f32 [tilespmem:s15], [sflag:$0x3], $0x80, s9, s14, $0xb8;
	[tilespmem:$0x1D000] =	vst v63  }
0xe7: {  	_ =	swait.ge [sflag:s18], $0x4000  }
0xe8: {  	[sflag:s18] =	ssyncset.done $0x0  }
0xe9: {  	[sflag:s18] =	ssyncadd.s32 $0xFFFFC000  }
0xea: {  	_ =	swait.ge [sflag:s19], $0x4000  }
0xeb: {  	[sflag:s19] =	ssyncset.done $0x0  }
0xec: {  	s7 =	rddreg [dreg:$0xa];
	[sflag:s19] =	ssyncadd.s32 $0xFFFFC000  }
0xed: {  	[tilespmem:s15], [sflag:$0x1] =	stream.indirect.gather [hbm4b:s4+s14], $0x80, s7, s14, $0xb8;
	[tilespmem:$0x1D000] =	vst v63  }
0xee: {  	s9 =	rddreg [dreg:$0xb]  }
0xef: {  	[spmem:s2] =	stream.indirect.scatter.add.f32 [tilespmem:s17], [sflag:$0x4], $0x80, s9, s14, $0xb8;
	[tilespmem:$0x1D000] =	vst v63  }
0xf0: {  	_ =	swait.ge [sflag:s16], $0x4000  }
0xf1: {  	[sflag:s16] =	ssyncset.done $0x0  }
0xf2: {  	[sflag:s16] =	ssyncadd.s32 $0xFFFFC000  }
0xf3: {  	_ =	swait.ge [sflag:s20], $0x4000  }
0xf4: {  	[sflag:s20] =	ssyncset.done $0x0  }
0xf5: {  	s7 =	rddreg [dreg:$0xc];
	[sflag:s20] =	ssyncadd.s32 $0xFFFFC000  }
0xf6: {  	[tilespmem:s17], [sflag:$0x2] =	stream.indirect.gather [hbm4b:s4+s14], $0x80, s7, s14, $0xb8;
	[tilespmem:$0x1D000] =	vst v63  }
0xf7: {  	s9 =	rddreg [dreg:$0xd]  }
0xf8: {  	[spmem:s2] =	stream.indirect.scatter.add.f32 [tilespmem:s15], [sflag:$0x3], $0x80, s9, s14, $0xb8;
	[tilespmem:$0x1D000] =	vst v63  }
0xf9: {  	_ =	swait.ge [sflag:s18], $0x4000  }
0xfa: {  	[sflag:s18] =	ssyncset.done $0x0  }
0xfb: {  	[sflag:s18] =	ssyncadd.s32 $0xFFFFC000  }
0xfc: {  	_ =	swait.ge [sflag:s19], $0x4000  }
0xfd: {  	[sflag:s19] =	ssyncset.done $0x0  }
0xfe: {  	s7 =	rddreg [dreg:$0xe];
	[sflag:s19] =	ssyncadd.s32 $0xFFFFC000  }
0xff: {  	[tilespmem:s15], [sflag:$0x1] =	stream.indirect.gather [hbm4b:s4+s14], $0x80, s7, s14, $0xb8;
	[tilespmem:$0x1D000] =	vst v63  }
0x100: {  	s9 =	rddreg [dreg:$0xf]  }
0x101: {  	[spmem:s2] =	stream.indirect.scatter.add.f32 [tilespmem:s17], [sflag:$0x4], $0x80, s9, s14, $0xb8;
	[tilespmem:$0x1D000] =	vst v63  }
0x102: {  	_ =	swait.ge [sflag:s16], $0x4000  }
0x103: {  	[sflag:s16] =	ssyncset.done $0x0  }
0x104: {  	[sflag:s16] =	ssyncadd.s32 $0xFFFFC000  }
0x105: {  	_ =	swait.ge [sflag:s20], $0x4000  }
0x106: {  	[sflag:s20] =	ssyncset.done $0x0  }
0x107: {  	s7 =	rddreg [dreg:$0x10];
	[sflag:s20] =	ssyncadd.s32 $0xFFFFC000  }
0x108: {  	[tilespmem:s17], [sflag:$0x2] =	stream.indirect.gather [hbm4b:s4+s14], $0x80, s7, s14, $0xb8;
	[tilespmem:$0x1D000] =	vst v63  }
0x109: {  	s9 =	rddreg [dreg:$0x11]  }
0x10a: {  	[spmem:s2] =	stream.indirect.scatter.add.f32 [tilespmem:s15], [sflag:$0x3], $0x80, s9, s14, $0xb8;
	[tilespmem:$0x1D000] =	vst v63  }
0x10b: {  	_ =	swait.ge [sflag:s18], $0x4000  }
0x10c: {  	[sflag:s18] =	ssyncset.done $0x0  }
0x10d: {  	[sflag:s18] =	ssyncadd.s32 $0xFFFFC000  }
0x10e: {  	_ =	swait.ge [sflag:s19], $0x4000  }
0x10f: {  	[sflag:s19] =	ssyncset.done $0x0  }
0x110: {  	s7 =	rddreg [dreg:$0x12];
	[sflag:s19] =	ssyncadd.s32 $0xFFFFC000  }
0x111: {  	[tilespmem:s15], [sflag:$0x1] =	stream.indirect.gather [hbm4b:s4+s14], $0x80, s7, s14, $0xb8;
	[tilespmem:$0x1D000] =	vst v63  }
0x112: {  	s9 =	rddreg [dreg:$0x13]  }
0x113: {  	[spmem:s2] =	stream.indirect.scatter.add.f32 [tilespmem:s17], [sflag:$0x4], $0x80, s9, s14, $0xb8;
	[tilespmem:$0x1D000] =	vst v63  }
0x114: {  	_ =	swait.ge [sflag:s16], $0x4000  }
0x115: {  	[sflag:s16] =	ssyncset.done $0x0  }
0x116: {  	[sflag:s16] =	ssyncadd.s32 $0xFFFFC000  }
0x117: {  	_ =	swait.ge [sflag:s20], $0x4000  }
0x118: {  	[sflag:s20] =	ssyncset.done $0x0  }
0x119: {  	s9 =	rddreg [dreg:$0x14];
	[sflag:s20] =	ssyncadd.s32 $0xFFFFC000  }
0x11a: {  	[tilespmem:s17], [sflag:$0x2] =	stream.indirect.gather [hbm4b:s4+s14], $0x80, s9, s14, $0xb8;
	[tilespmem:$0x1D000] =	vst v63  }
0x11b: {  	_ = 	snop  }
0x11c: {  	[spmem:s2] =	stream.indirect.scatter.add.f32 [tilespmem:s15], [sflag:$0x3], $0x80, s21, s14, $0xb8;
	[tilespmem:$0x1D000] =	vst v63  }
0x11d: {  	_ =	swait.ge [sflag:s18], $0x4000  }
0x11e: {  	[sflag:s18] =	ssyncset.done $0x0  }
0x11f: {  	[sflag:s18] =	ssyncadd.s32 $0xFFFFC000  }
0x120: {  	_ =	swait.ge [sflag:s19], $0x4000  }
0x121: {  	[sflag:s19] =	ssyncset.done $0x0  }
0x122: {  	[sflag:s19] =	ssyncadd.s32 $0xFFFFC000  }
0x123: {  	[tilespmem:s15], [sflag:$0x1] =	stream.indirect.gather [hbm4b:s4+s14], $0x80, s22, s14, $0xb8;
	[tilespmem:$0x1D000] =	vst v63  }
0x124: {  	_ = 	snop  }
0x125: {  	[spmem:s2] =	stream.indirect.scatter.add.f32 [tilespmem:s17], [sflag:$0x4], $0x80, s23, s14, $0xb8;
	[tilespmem:$0x1D000] =	vst v63  }
0x126: {  	_ =	swait.ge [sflag:s16], $0x4000  }
0x127: {  	[sflag:s16] =	ssyncset.done $0x0  }
0x128: {  	[sflag:s16] =	ssyncadd.s32 $0xFFFFC000  }
0x129: {  	_ =	swait.ge [sflag:s20], $0x4000  }
0x12a: {  	[sflag:s20] =	ssyncset.done $0x0  }
0x12b: {  	[sflag:s20] =	ssyncadd.s32 $0xFFFFC000  }
0x12c: {  	[tilespmem:s17], [sflag:$0x2] =	stream.indirect.gather [hbm4b:s4+s14], $0x80, s24, s14, $0xb8;
	[tilespmem:$0x1D000] =	vst v63  }
0x12d: {  	_ = 	snop  }
0x12e: {  	[spmem:s2] =	stream.indirect.scatter.add.f32 [tilespmem:s15], [sflag:$0x3], $0x80, s25, s14, $0xb8;
	[tilespmem:$0x1D000] =	vst v63  }
0x12f: {  	_ =	swait.ge [sflag:s18], $0x4000  }
0x130: {  	[sflag:s18] =	ssyncset.done $0x0  }
0x131: {  	[sflag:s18] =	ssyncadd.s32 $0xFFFFC000  }
0x132: {  	_ =	swait.ge [sflag:s19], $0x4000  }
0x133: {  	[sflag:s19] =	ssyncset.done $0x0  }
0x134: {  	[sflag:s19] =	ssyncadd.s32 $0xFFFFC000  }
0x135: {  	[tilespmem:s15], [sflag:$0x1] =	stream.indirect.gather [hbm4b:s4+s14], $0x80, s26, s14, $0xb8;
	[tilespmem:$0x1D000] =	vst v63  }
0x136: {  	_ = 	snop  }
0x137: {  	[spmem:s2] =	stream.indirect.scatter.add.f32 [tilespmem:s17], [sflag:$0x4], $0x80, s28, s14, $0xb8;
	[tilespmem:$0x1D000] =	vst v63  }
0x138: {  	_ =	swait.ge [sflag:s16], $0x4000  }
0x139: {  	[sflag:s16] =	ssyncset.done $0x0  }
0x13a: {  	[sflag:s16] =	ssyncadd.s32 $0xFFFFC000  }
0x13b: {  	_ =	swait.ge [sflag:s20], $0x4000  }
0x13c: {  	[sflag:s20] =	ssyncset.done $0x0  }
0x13d: {  	[sflag:s20] =	ssyncadd.s32 $0xFFFFC000  }
0x13e: {  	[tilespmem:s17], [sflag:$0x2] =	stream.indirect.gather [hbm4b:s4+s14], $0x80, s29, s14, $0xb8;
	[tilespmem:$0x1D000] =	vst v63  }
0x13f: {  	_ = 	snop  }
0x140: {  	[spmem:s2] =	stream.indirect.scatter.add.f32 [tilespmem:s15], [sflag:$0x3], $0x80, s30, s14, $0xb8;
	[tilespmem:$0x1D000] =	vst v63  }
0x141: {  	_ =	swait.ge [sflag:s18], $0x4000  }
0x142: {  	[sflag:s18] =	ssyncset.done $0x0  }
0x143: {  	[sflag:s18] =	ssyncadd.s32 $0xFFFFC000  }
0x144: {  	_ =	swait.ge [sflag:s19], $0x4000  }
0x145: {  	[sflag:s19] =	ssyncset.done $0x0  }
0x146: {  	[sflag:s19] =	ssyncadd.s32 $0xFFFFC000  }
0x147: {  	[tilespmem:s15], [sflag:$0x1] =	stream.indirect.gather [hbm4b:s4+s14], $0x80, s31, s14, $0xb8;
	[tilespmem:$0x1D000] =	vst v63  }
0x148: {  	_ = 	snop  }
0x149: {  	[spmem:s2] =	stream.indirect.scatter.add.f32 [tilespmem:s17], [sflag:$0x4], $0x80, s1, s14, $0xb8;
	[tilespmem:$0x1D000] =	vst v63  }
0x14a: {  	_ =	swait.ge [sflag:s16], $0x4000  }
0x14b: {  	[sflag:s16] =	ssyncset.done $0x0  }
0x14c: {  	[sflag:s16] =	ssyncadd.s32 $0xFFFFC000  }
0x14d: {  	_ =	swait.ge [sflag:s20], $0x4000  }
0x14e: {  	[sflag:s20] =	ssyncset.done $0x0  }
0x14f: {  	s11 =	sadd.s32 $0x100, s11;
	[sflag:s20] =	ssyncadd.s32 $0xFFFFC000  }
0x150: {  	[tilespmem:s17], [sflag:$0x2] =	stream.indirect.gather [hbm4b:s4+s14], $0x80, s0, s14, $0xb8;
	[tilespmem:$0x1D000] =	vst v63  }
0x151: {  	p1 =	sne.s32 s11, $0x500  }
0x152: {  	[spmem:s2] =	stream.indirect.scatter.add.f32 [tilespmem:s15], [sflag:$0x3], $0x80, s5, s14, $0xb8;
	[tilespmem:$0x1D000] =	vst v63  }
.Ltmp0:
0x153: {  	_ =	swait.ge [sflag:s18], $0x4000;
	(pc) =	sbr.rel @p1 .LBB2_2-.Ltmp0, $4  }
0x154: {  	[sflag:s18] =	ssyncset.done $0x0  }
0x155: {  	[sflag:s18] =	ssyncadd.s32 $0xFFFFC000  }
0x156: {  	_ =	swait.ge [sflag:s19], $0x4000  }
0x157: {  	p2 =	seq.s32 s10, $0x0;
	[sflag:s19] =	ssyncset.done $0x0  }
0x158: {  	s6 =	simm.s32 @!p2 $0x4;
	[sflag:s19] =	ssyncadd.s32 $0xFFFFC000  }
0x159: {  	[spmem:s2] =	stream.indirect.scatter.add.f32 [tilespmem:s17], [sflag:$0x4], $0x80, s8, s14, $0xb8;
	[tilespmem:$0x1D000] =	vst v63  }
0x15a: {  	_ =	swait.ge @!p2 [sflag:s6], $0x4000  }
0x15b: {  	s7 =	rddreg [dreg:$0x5];
	[sflag:s6] =	ssyncset.done @!p2 $0x0  }
0x15c: {  	[sflag:s6] =	ssyncadd.s32 @!p2 $0xFFFFC000;
	s9 =	sadd.s32 s10, s7  }
0x15d: {  	[tilespmem:s3], [sflag:$0x5] =	stream.linear.gather [hbm4b:s9+s3], $0x800, $0x38;
	[tilespmem:$0x1D000] =	vst v63  }
0x15e: {  	_ =	swait.ge [sflag:s12], $0x800  }
0x15f: {  	s11 =	rddreg [dreg:$0x4];
	[sflag:s12] =	ssyncset.done $0x0  }
0x160: {  	[sflag:s12] =	ssyncadd.s32 $0xFFFFF800;
	s6 =	sadd.s32 s10, s11  }
0x161: {  	[tilespmem:s13], [sflag:$0x5] =	stream.linear.gather [hbm4b:s6+s3], $0x800, $0x38;
	[tilespmem:$0x1D000] =	vst v63  }
0x162: {  	_ =	swait.ge [sflag:s12], $0x800  }
0x163: {  	[sflag:s12] =	ssyncset.done $0x0  }
0x164: {  	[sflag:s12] =	ssyncadd.s32 $0xFFFFF800  }
0x165: {  	[tilespmem:s15], [sflag:$0x1] =	stream.indirect.gather [hbm4b:s4+s14], $0x80, s3, s14, $0xb8;
	[tilespmem:$0x1D000] =	vst v63  }
0x166: {  	_ =	swait.ge [sflag:s16], $0x4000  }
0x167: {  	[sflag:s16] =	ssyncset.done $0x0  }
0x168: {  	[sflag:s16] =	ssyncadd.s32 $0xFFFFC000  }
0x169: {  	[tilespmem:s17], [sflag:$0x2] =	stream.indirect.gather [hbm4b:s4+s14], $0x80, s14, s14, $0xb8;
	[tilespmem:$0x1D000] =	vst v63  }
0x16a: {  	_ = 	snop  }
0x16b: {  	[spmem:s2] =	stream.indirect.scatter.add.f32 [tilespmem:s15], [sflag:$0x3], $0x80, s13, s14, $0xb8;
	[tilespmem:$0x1D000] =	vst v63  }
0x16c: {  	_ =	swait.ge [sflag:s18], $0x4000  }
0x16d: {  	[sflag:s18] =	ssyncset.done $0x0  }
0x16e: {  	[sflag:s18] =	ssyncadd.s32 $0xFFFFC000  }
0x16f: {  	_ =	swait.ge [sflag:s19], $0x4000  }
0x170: {  	[sflag:s19] =	ssyncset.done $0x0  }
0x171: {  	s7 =	rddreg [dreg:$0x6];
	[sflag:s19] =	ssyncadd.s32 $0xFFFFC000  }
0x172: {  	[tilespmem:s15], [sflag:$0x1] =	stream.indirect.gather [hbm4b:s4+s14], $0x80, s7, s14, $0xb8;
	[tilespmem:$0x1D000] =	vst v63  }
0x173: {  	s9 =	rddreg [dreg:$0x7]  }
0x174: {  	[spmem:s2] =	stream.indirect.scatter.add.f32 [tilespmem:s17], [sflag:$0x4], $0x80, s9, s14, $0xb8;
	[tilespmem:$0x1D000] =	vst v63  }
0x175: {  	_ =	swait.ge [sflag:s16], $0x4000  }
0x176: {  	[sflag:s16] =	ssyncset.done $0x0  }
0x177: {  	[sflag:s16] =	ssyncadd.s32 $0xFFFFC000  }
0x178: {  	_ =	swait.ge [sflag:s20], $0x4000  }
0x179: {  	[sflag:s20] =	ssyncset.done $0x0  }
0x17a: {  	s10 =	rddreg [dreg:$0x8];
	[sflag:s20] =	ssyncadd.s32 $0xFFFFC000  }
0x17b: {  	[tilespmem:s17], [sflag:$0x2] =	stream.indirect.gather [hbm4b:s4+s14], $0x80, s10, s14, $0xb8;
	[tilespmem:$0x1D000] =	vst v63  }
0x17c: {  	s11 =	rddreg [dreg:$0x9]  }
0x17d: {  	[spmem:s2] =	stream.indirect.scatter.add.f32 [tilespmem:s15], [sflag:$0x3], $0x80, s11, s14, $0xb8;
	[tilespmem:$0x1D000] =	vst v63  }
0x17e: {  	_ =	swait.ge [sflag:s18], $0x4000  }
0x17f: {  	[sflag:s18] =	ssyncset.done $0x0  }
0x180: {  	[sflag:s18] =	ssyncadd.s32 $0xFFFFC000  }
0x181: {  	_ =	swait.ge [sflag:s19], $0x4000  }
0x182: {  	[sflag:s19] =	ssyncset.done $0x0  }
0x183: {  	s7 =	rddreg [dreg:$0xa];
	[sflag:s19] =	ssyncadd.s32 $0xFFFFC000  }
0x184: {  	[tilespmem:s15], [sflag:$0x1] =	stream.indirect.gather [hbm4b:s4+s14], $0x80, s7, s14, $0xb8;
	[tilespmem:$0x1D000] =	vst v63  }
0x185: {  	s9 =	rddreg [dreg:$0xb]  }
0x186: {  	[spmem:s2] =	stream.indirect.scatter.add.f32 [tilespmem:s17], [sflag:$0x4], $0x80, s9, s14, $0xb8;
	[tilespmem:$0x1D000] =	vst v63  }
0x187: {  	_ =	swait.ge [sflag:s16], $0x4000  }
0x188: {  	[sflag:s16] =	ssyncset.done $0x0  }
0x189: {  	[sflag:s16] =	ssyncadd.s32 $0xFFFFC000  }
0x18a: {  	_ =	swait.ge [sflag:s20], $0x4000  }
0x18b: {  	[sflag:s20] =	ssyncset.done $0x0  }
0x18c: {  	s10 =	rddreg [dreg:$0xc];
	[sflag:s20] =	ssyncadd.s32 $0xFFFFC000  }
0x18d: {  	[tilespmem:s17], [sflag:$0x2] =	stream.indirect.gather [hbm4b:s4+s14], $0x80, s10, s14, $0xb8;
	[tilespmem:$0x1D000] =	vst v63  }
0x18e: {  	s11 =	rddreg [dreg:$0xd]  }
0x18f: {  	[spmem:s2] =	stream.indirect.scatter.add.f32 [tilespmem:s15], [sflag:$0x3], $0x80, s11, s14, $0xb8;
	[tilespmem:$0x1D000] =	vst v63  }
0x190: {  	_ =	swait.ge [sflag:s18], $0x4000  }
0x191: {  	[sflag:s18] =	ssyncset.done $0x0  }
0x192: {  	[sflag:s18] =	ssyncadd.s32 $0xFFFFC000  }
0x193: {  	_ =	swait.ge [sflag:s19], $0x4000  }
0x194: {  	[sflag:s19] =	ssyncset.done $0x0  }
0x195: {  	s7 =	rddreg [dreg:$0xe];
	[sflag:s19] =	ssyncadd.s32 $0xFFFFC000  }
0x196: {  	[tilespmem:s15], [sflag:$0x1] =	stream.indirect.gather [hbm4b:s4+s14], $0x80, s7, s14, $0xb8;
	[tilespmem:$0x1D000] =	vst v63  }
0x197: {  	s9 =	rddreg [dreg:$0xf]  }
0x198: {  	[spmem:s2] =	stream.indirect.scatter.add.f32 [tilespmem:s17], [sflag:$0x4], $0x80, s9, s14, $0xb8;
	[tilespmem:$0x1D000] =	vst v63  }
0x199: {  	_ =	swait.ge [sflag:s16], $0x4000  }
0x19a: {  	[sflag:s16] =	ssyncset.done $0x0  }
0x19b: {  	[sflag:s16] =	ssyncadd.s32 $0xFFFFC000  }
0x19c: {  	_ =	swait.ge [sflag:s20], $0x4000  }
0x19d: {  	[sflag:s20] =	ssyncset.done $0x0  }
0x19e: {  	s10 =	rddreg [dreg:$0x10];
	[sflag:s20] =	ssyncadd.s32 $0xFFFFC000  }
0x19f: {  	[tilespmem:s17], [sflag:$0x2] =	stream.indirect.gather [hbm4b:s4+s14], $0x80, s10, s14, $0xb8;
	[tilespmem:$0x1D000] =	vst v63  }
0x1a0: {  	s11 =	rddreg [dreg:$0x11]  }
0x1a1: {  	[spmem:s2] =	stream.indirect.scatter.add.f32 [tilespmem:s15], [sflag:$0x3], $0x80, s11, s14, $0xb8;
	[tilespmem:$0x1D000] =	vst v63  }
0x1a2: {  	_ =	swait.ge [sflag:s18], $0x4000  }
0x1a3: {  	[sflag:s18] =	ssyncset.done $0x0  }
0x1a4: {  	[sflag:s18] =	ssyncadd.s32 $0xFFFFC000  }
0x1a5: {  	_ =	swait.ge [sflag:s19], $0x4000  }
0x1a6: {  	[sflag:s19] =	ssyncset.done $0x0  }
0x1a7: {  	s9 =	rddreg [dreg:$0x12];
	[sflag:s19] =	ssyncadd.s32 $0xFFFFC000  }
0x1a8: {  	[tilespmem:s15], [sflag:$0x1] =	stream.indirect.gather [hbm4b:s4+s14], $0x80, s9, s14, $0xb8;
	[tilespmem:$0x1D000] =	vst v63  }
0x1a9: {  	s10 =	rddreg [dreg:$0x13]  }
0x1aa: {  	[spmem:s2] =	stream.indirect.scatter.add.f32 [tilespmem:s17], [sflag:$0x4], $0x80, s10, s14, $0xb8;
	[tilespmem:$0x1D000] =	vst v63  }
0x1ab: {  	_ =	swait.ge [sflag:s16], $0x4000  }
0x1ac: {  	[sflag:s16] =	ssyncset.done $0x0  }
0x1ad: {  	[sflag:s16] =	ssyncadd.s32 $0xFFFFC000  }
0x1ae: {  	_ =	swait.ge [sflag:s20], $0x4000  }
0x1af: {  	[sflag:s20] =	ssyncset.done $0x0  }
0x1b0: {  	s11 =	rddreg [dreg:$0x14];
	[sflag:s20] =	ssyncadd.s32 $0xFFFFC000  }
0x1b1: {  	[tilespmem:s17], [sflag:$0x2] =	stream.indirect.gather [hbm4b:s4+s14], $0x80, s11, s14, $0xb8;
	[tilespmem:$0x1D000] =	vst v63  }
0x1b2: {  	_ = 	snop  }
0x1b3: {  	[spmem:s2] =	stream.indirect.scatter.add.f32 [tilespmem:s15], [sflag:$0x3], $0x80, s21, s14, $0xb8;
	[tilespmem:$0x1D000] =	vst v63  }
0x1b4: {  	_ =	swait.ge [sflag:s18], $0x4000  }
0x1b5: {  	[sflag:s18] =	ssyncset.done $0x0  }
0x1b6: {  	[sflag:s18] =	ssyncadd.s32 $0xFFFFC000  }
0x1b7: {  	_ =	swait.ge [sflag:s19], $0x4000  }
0x1b8: {  	[sflag:s19] =	ssyncset.done $0x0  }
0x1b9: {  	[sflag:s19] =	ssyncadd.s32 $0xFFFFC000  }
0x1ba: {  	[tilespmem:s15], [sflag:$0x1] =	stream.indirect.gather [hbm4b:s4+s14], $0x80, s22, s14, $0xb8;
	[tilespmem:$0x1D000] =	vst v63  }
0x1bb: {  	_ = 	snop  }
0x1bc: {  	[spmem:s2] =	stream.indirect.scatter.add.f32 [tilespmem:s17], [sflag:$0x4], $0x80, s23, s14, $0xb8;
	[tilespmem:$0x1D000] =	vst v63  }
0x1bd: {  	_ =	swait.ge [sflag:s16], $0x4000  }
0x1be: {  	[sflag:s16] =	ssyncset.done $0x0  }
0x1bf: {  	[sflag:s16] =	ssyncadd.s32 $0xFFFFC000  }
0x1c0: {  	_ =	swait.ge [sflag:s20], $0x4000  }
0x1c1: {  	[sflag:s20] =	ssyncset.done $0x0  }
0x1c2: {  	[sflag:s20] =	ssyncadd.s32 $0xFFFFC000  }
0x1c3: {  	[tilespmem:s17], [sflag:$0x2] =	stream.indirect.gather [hbm4b:s4+s14], $0x80, s24, s14, $0xb8;
	[tilespmem:$0x1D000] =	vst v63  }
0x1c4: {  	_ = 	snop  }
0x1c5: {  	[spmem:s2] =	stream.indirect.scatter.add.f32 [tilespmem:s15], [sflag:$0x3], $0x80, s25, s14, $0xb8;
	[tilespmem:$0x1D000] =	vst v63  }
0x1c6: {  	_ =	swait.ge [sflag:s18], $0x4000  }
0x1c7: {  	[sflag:s18] =	ssyncset.done $0x0  }
0x1c8: {  	[sflag:s18] =	ssyncadd.s32 $0xFFFFC000  }
0x1c9: {  	_ =	swait.ge [sflag:s19], $0x4000  }
0x1ca: {  	[sflag:s19] =	ssyncset.done $0x0  }
0x1cb: {  	[sflag:s19] =	ssyncadd.s32 $0xFFFFC000  }
0x1cc: {  	[tilespmem:s15], [sflag:$0x1] =	stream.indirect.gather [hbm4b:s4+s14], $0x80, s26, s14, $0xb8;
	[tilespmem:$0x1D000] =	vst v63  }
0x1cd: {  	_ = 	snop  }
0x1ce: {  	[spmem:s2] =	stream.indirect.scatter.add.f32 [tilespmem:s17], [sflag:$0x4], $0x80, s28, s14, $0xb8;
	[tilespmem:$0x1D000] =	vst v63  }
0x1cf: {  	_ =	swait.ge [sflag:s16], $0x4000  }
0x1d0: {  	[sflag:s16] =	ssyncset.done $0x0  }
0x1d1: {  	[sflag:s16] =	ssyncadd.s32 $0xFFFFC000  }
0x1d2: {  	_ =	swait.ge [sflag:s20], $0x4000  }
0x1d3: {  	[sflag:s20] =	ssyncset.done $0x0  }
0x1d4: {  	[sflag:s20] =	ssyncadd.s32 $0xFFFFC000  }
0x1d5: {  	[tilespmem:s17], [sflag:$0x2] =	stream.indirect.gather [hbm4b:s4+s14], $0x80, s29, s14, $0xb8;
	[tilespmem:$0x1D000] =	vst v63  }
0x1d6: {  	_ = 	snop  }
0x1d7: {  	[spmem:s2] =	stream.indirect.scatter.add.f32 [tilespmem:s15], [sflag:$0x3], $0x80, s30, s14, $0xb8;
	[tilespmem:$0x1D000] =	vst v63  }
0x1d8: {  	_ =	swait.ge [sflag:s18], $0x4000  }
0x1d9: {  	[sflag:s18] =	ssyncset.done $0x0  }
0x1da: {  	[sflag:s18] =	ssyncadd.s32 $0xFFFFC000  }
0x1db: {  	_ =	swait.ge [sflag:s19], $0x4000  }
0x1dc: {  	[sflag:s19] =	ssyncset.done $0x0  }
0x1dd: {  	[sflag:s19] =	ssyncadd.s32 $0xFFFFC000  }
0x1de: {  	[tilespmem:s15], [sflag:$0x1] =	stream.indirect.gather [hbm4b:s4+s14], $0x80, s31, s14, $0xb8;
	[tilespmem:$0x1D000] =	vst v63  }
0x1df: {  	_ = 	snop  }
0x1e0: {  	[spmem:s2] =	stream.indirect.scatter.add.f32 [tilespmem:s17], [sflag:$0x4], $0x80, s1, s14, $0xb8;
	[tilespmem:$0x1D000] =	vst v63  }
0x1e1: {  	_ =	swait.ge [sflag:s16], $0x4000  }
0x1e2: {  	[sflag:s16] =	ssyncset.done $0x0  }
0x1e3: {  	[sflag:s16] =	ssyncadd.s32 $0xFFFFC000  }
0x1e4: {  	_ =	swait.ge [sflag:s20], $0x4000  }
0x1e5: {  	[sflag:s20] =	ssyncset.done $0x0  }
0x1e6: {  	[sflag:s20] =	ssyncadd.s32 $0xFFFFC000  }
0x1e7: {  	[tilespmem:s17], [sflag:$0x2] =	stream.indirect.gather [hbm4b:s4+s14], $0x80, s0, s14, $0xb8;
	[tilespmem:$0x1D000] =	vst v63  }
0x1e8: {  	_ = 	snop  }
0x1e9: {  	[spmem:s2] =	stream.indirect.scatter.add.f32 [tilespmem:s15], [sflag:$0x3], $0x80, s5, s14, $0xb8;
	[tilespmem:$0x1D000] =	vst v63  }
0x1ea: {  	_ =	swait.ge [sflag:s18], $0x4000  }
0x1eb: {  	[sflag:s18] =	ssyncset.done $0x0  }
0x1ec: {  	[sflag:s18] =	ssyncadd.s32 $0xFFFFC000  }
0x1ed: {  	_ =	swait.ge [sflag:s19], $0x4000  }
0x1ee: {  	[sflag:s19] =	ssyncset.done $0x0  }
0x1ef: {  	[sflag:s19] =	ssyncadd.s32 $0xFFFFC000  }
0x1f0: {  	[spmem:s2] =	stream.indirect.scatter.add.f32 [tilespmem:s17], [sflag:$0x4], $0x80, s8, s14, $0xb8;
	[tilespmem:$0x1D000] =	vst v63  }
0x1f1: {  	_ =	swait.ge [sflag:s20], $0x4000  }
0x1f2: {  	[sflag:s20] =	ssyncset.done $0x0  }
0x1f3: {  	[sflag:s20] =	ssyncadd.s32 $0xFFFFC000  }
0x1f4: {  	[bflag:$0x0] =	sbarrier.arrive $0xFFFF  }
0x1f5: {  	s7 =	rddreg [dreg:$0x16]  }
0x1f6: {  	s9 =	rddreg [dreg:$0x17]  }
0x1f7: {  	s10 =	rddreg [dreg:$0x19];
	s6 =	sshrl.u32 @p0 s7, $0x3  }
0x1f8: {  	[hbm:s10], [sflag:s9] =	dma.local @p0 [spmem:s6], $0x1900  }
0x1f9: {  	s6 =	simm.s32 @p0 $0x5  }
0x1fa: {  	_ =	swait.ge @p0 [sflag:s6], $0x1900  }
0x1fb: {  	[sflag:s6] =	ssyncset.done @p0 $0x0  }
0x1fc: {  	[sflag:s6] =	ssyncadd.s32 @p0 $0xFFFFE700;
	s6 =	sshrl.u32 @!p0 s7, $0x3;
	s7 =	rddreg [dreg:$0x18]  }
0x1fd: {  	[hbm:s7], [sflag:s9] =	dma.local @!p0 [spmem:s6], $0x2800  }
0x1fe: {  	s6 =	simm.s32 @!p0 $0x5  }
0x1ff: {  	_ =	swait.ge @!p0 [sflag:s6], $0x2800  }
0x200: {  	s7 =	rddreg [dreg:$0x1c]  }
0x201: {  	s11 =	rddreg [dreg:$0x1a];
	s10 =	sadd.s32 $0x1, s7  }
0x202: {  	p1 =	sne.s32 s10, s11  }
.Ltmp1:
0x203: {  	_ = 	snop;
	(pc) =	sbr.rel @p1 .LBB2_1-.Ltmp1, $3  }
0x204: {  	_ =	sdelay $0x1  }
0x205: {  	[sflag:s6] =	ssyncset.done @!p0 $0x0  }
0x206: {  	[sflag:s6] =	ssyncadd.s32 @!p0 $0xFFFFD800  }
0x207: {  	_ =	sfence.sel $0x180000  }
0x208: {  	[bflag:$0x0] =	sbarrier.arrive $0xFFFF  }
0x209: {  	_ =	strace $0x9000004A  }
0x20a: {  	s0 =	stileid.u32;
	[bflag:$0x2] =	sbarrier.arrive $0xFFFF  }
0x20b: {  	p0 =	sne.s32 s0, $0x0;
	s0 =	rddreg [dreg:$0x3]  }
0x20c: {  	s0 =	sadd.s32 @!p0 $0x100000, s0  }
0x20d: {  	[sflag:s0] =	ssyncadd.tile.s32 @!p0 $0x1;
	_ =	shalt  }
.Lfunc_end2:
_tile_overlayer_lowered:
.L_overlay_start_2:
0x20e: {  	(tag) =	ssettag $0x2  }
0x20f: {  	s0 =	rddreg [dreg:$0x0];
	s2 =	stileid.u32  }
0x210: {  	s1 =	rddreg [dreg:$0x1];
	p0 =	sne.s32 s2, $0x0  }
0x211: {  	s3 =	rddreg [dreg:$0x2];
	[bflag:$0x3] =	sbarrier.arrive $0xFFFF;
	s2 =	simm.s32 @!p0 $0x1C05  }
0x212: {  	[timem:s3], [sflag:s2] =	dma.local @!p0 [hbm:s0], s1  }
0x213: {  	s0 =	simm.s32 @!p0 $0x5  }
0x214: {  	_ =	swait.ge @!p0 [sflag:s0], s1  }
0x215: {  	s1 =	ssub.s32 @!p0 $0x0, s1;
	[sflag:s0] =	ssyncset.done @!p0 $0x0  }
0x216: {  	[sflag:s0] =	ssyncadd.s32 @!p0 s1  }
0x217: {  	[bflag:$0x3] =	sbarrier.arrive $0xFFFF  }
0x218: {  	_ =	shalt  }

</sc_bundles>
